<compile_context>
chip_gen: v7x
topology: tpu7x:2x2x1
jax: 0.10.2.dev20260603
libtpu: 0.0.44.dev20260713+nightly
codegen_flags: <defaults>
</compile_context>

<pallas_src>
import functools

import jax
import jax.numpy as jnp
from jax import lax
from jax.experimental import pallas as pl
from jax.experimental.pallas import tpu as pltpu
from jax.experimental.pallas import tpu_sc as plsc

N = 10000
E = 320000
D = 128

_info = plsc.get_sparse_core_info()
_NC, _NS = _info.num_cores, _info.num_subcores
_NW = _NC * _NS
_RPW = E // _NW
_C = 128
_NB = 6
_NFULL = _RPW // _C
_NGRP = _NFULL // _NB
_TAIL = _RPW - _NFULL * _C


def _tables_body(tabs_ref, a0_ref, a1_ref, a2_ref, out_ref, k_ref):
    pid = pl.program_id(0)
    k = lax.broadcasted_iota(jnp.int32, (1024, 1), 0)
    col = lax.broadcasted_iota(jnp.int32, (1024, 64), 1)
    mh_comb = (((col == k // 100) | (col == 10 + (k // 10) % 10)
                | (col == 20 + k % 10)) & (k < 1000))
    mh_tup = (col == 32 + k % 32)
    mh = jnp.where(pid < 1, mh_comb.astype(jnp.float32),
                   mh_tup.astype(jnp.float32))
    out_ref[0] = jnp.dot(mh, tabs_ref[...],
                         preferred_element_type=jnp.float32)

    @pl.when(pid == 0)
    def _():
        k_ref[...] = a0_ref[...] * 100 + a1_ref[...] * 10 + a2_ref[...]


def _build_tables(tabs, a0, a1, a2):
    spec_k = pl.BlockSpec(a0.shape, lambda i: (0, 0))
    return pl.pallas_call(
        _tables_body,
        grid=(2,),
        in_specs=[pl.BlockSpec((64, D), lambda i: (0, 0)),
                  spec_k, spec_k, spec_k],
        out_specs=[pl.BlockSpec((1, 1024, D), lambda i: (i, 0, 0)), spec_k],
        out_shape=[jax.ShapeDtypeStruct((2, 1024, D), jnp.float32),
                   jax.ShapeDtypeStruct(a0.shape, jnp.int32)],
    )(tabs, a0, a1, a2)



_XB = 1000


def _x_body(xp_ref, tab_ref, out_ref):
    xv = xp_ref[...]
    col = lax.broadcasted_iota(jnp.int32, (_XB, 1024), 1)
    mh = jnp.zeros((_XB, 1024), jnp.float32)
    for c in range(9):
        mh = mh + (col == (xv[:, c:c + 1] + 100 * c)).astype(jnp.float32)
    out_ref[...] = jnp.dot(mh, tab_ref[...],
                           preferred_element_type=jnp.float32)


def _x_encode(xp, xt_flat):
    return pl.pallas_call(
        _x_body,
        grid=(N // _XB,),
        in_specs=[
            pl.BlockSpec((_XB, 9), lambda i: (i, 0)),
            pl.BlockSpec((1024, D), lambda i: (0, 0)),
        ],
        out_specs=pl.BlockSpec((_XB, D), lambda i: (i, 0)),
        out_shape=jax.ShapeDtypeStruct((N, D), jnp.float32),
    )(xp, xt_flat)



_sc_mesh = plsc.VectorSubcoreMesh(core_axis_name="c", subcore_axis_name="s")


@functools.partial(
    pl.kernel,
    mesh=_sc_mesh,
    out_type=[
        jax.ShapeDtypeStruct((E, D), jnp.float32),
        jax.ShapeDtypeStruct((E, D), jnp.float32),
    ],
    scratch_types=[
        [pltpu.VMEM((_RPW,), jnp.int32)] * 2,
        [pltpu.VMEM((_C, D), jnp.float32)] * _NB,
        pltpu.VMEM_SHARED((1024, D), jnp.float32),
        pltpu.VMEM_SHARED((32, D), jnp.float32),
        pltpu.SemaphoreType.DMA,
        pltpu.SemaphoreType.DMA,
        pltpu.SemaphoreType.DMA,
    ],
)
def _sc_gather(keys_hbm, comb_hbm, tf_hbm, tt_hbm, ea_out, tup_out,
               idxs, rows, comb_sh, tup_sh, gsem, osem, isem):
    wid = lax.axis_index("s") * _NC + lax.axis_index("c")
    base0 = wid * _RPW

    pltpu.async_copy(keys_hbm.at[pl.ds(base0, _RPW)], idxs[0], isem)
    pltpu.async_copy(tf_hbm.at[pl.ds(base0, _RPW)], idxs[1], isem)
    @pl.when(lax.axis_index("s") == 0)
    def _():
        pltpu.sync_copy(comb_hbm, comb_sh)
        pltpu.sync_copy(tt_hbm.at[pl.ds(0, 32), :], tup_sh)
    pltpu.make_async_copy(
        keys_hbm.at[pl.ds(base0, _RPW)], idxs[0], isem).wait()
    pltpu.make_async_copy(
        tf_hbm.at[pl.ds(base0, _RPW)], idxs[1], isem).wait()
    plsc.subcore_barrier()

    def run_job(idx_v, table_sh, out_hbm):
        def fire(c, b):
            pltpu.async_copy(
                table_sh.at[idx_v.at[pl.ds(c * _C, _C)]], rows[b], gsem)

        def wait_fire_out(c, b):
            pltpu.make_async_copy(
                table_sh.at[idx_v.at[pl.ds(c * _C, _C)]], rows[b],
                gsem).wait()
            pltpu.async_copy(
                rows[b], out_hbm.at[pl.ds(base0 + c * _C, _C), :], osem)

        def drain_out(b):
            pltpu.make_async_copy(
                rows[b], out_hbm.at[pl.ds(base0, _C), :], osem).wait()

        def group(j, carry):
            for b in range(_NB):
                @pl.when(j > 0)
                def _():
                    drain_out(b)
                fire(j * _NB + b, b)
            for b in range(_NB):
                wait_fire_out(j * _NB + b, b)
            return carry

        lax.fori_loop(0, _NGRP, group, 0)
        for b in range(_NB):
            drain_out(b)
        toff = base0 + _NFULL * _C
        tail_rows = rows[0].at[pl.ds(0, _TAIL), :]
        pltpu.async_copy(
            table_sh.at[idx_v.at[pl.ds(_NFULL * _C, _TAIL)]],
            tail_rows, gsem)
        pltpu.make_async_copy(
            table_sh.at[idx_v.at[pl.ds(_NFULL * _C, _TAIL)]],
            tail_rows, gsem).wait()
        pltpu.sync_copy(tail_rows, out_hbm.at[pl.ds(toff, _TAIL), :])

    run_job(idxs[0], comb_sh, ea_out)
    run_job(idxs[1], tup_sh, tup_out)



def kernel(x, A_indices, A_values, tuplefeat, x_tables, ea_tables, tuple_table):
    del A_indices
    tabs = jnp.concatenate([
        ea_tables.reshape(30, D), jnp.zeros((2, D), jnp.float32),
        tuple_table, jnp.zeros((12, D), jnp.float32)], axis=0)
    a0 = A_values[:, 0].reshape(E // 512, 512)
    a1 = A_values[:, 1].reshape(E // 512, 512)
    a2 = A_values[:, 2].reshape(E // 512, 512)
    tables, keys = _build_tables(tabs, a0, a1, a2)
    comb = tables[0]
    tup_pad = tables[1]
    ea_emb, tuple_emb = _sc_gather(keys.reshape(E), comb, tuplefeat, tup_pad)
    xt_flat = jnp.concatenate(
        [x_tables.reshape(900, D), jnp.zeros((124, D), jnp.float32)], axis=0)
    x_emb = _x_encode(x, xt_flat)
    return (x_emb, ea_emb, tuple_emb)

# --- scband reference (transcript-rebuilt; emitter-appended) ---
"""Pipeline reference for scband-input-encoder-30030411334417 (READ-ONLY COPY).

The authoritative reference and input builder live on the scoring server;
editing this copy changes nothing except your own understanding.
"""

import jax, jax.numpy as jnp
import numpy as np

N = 10000
E = 320000
T = 320000
D = 128
X_COLS = 9
X_VOCAB = 100
EA_COLS = 3
EA_VOCAB = 10
T_VOCAB = 20


def setup_inputs(seed: int = 0) -> dict:
    key = jax.random.key(seed)
    ks = [jax.random.fold_in(key, i) for i in range(8)]
    x = jax.random.randint(ks[0], (N, X_COLS), 0, X_VOCAB, dtype=jnp.int32)
    A_indices = jax.random.randint(ks[1], (2, E), 0, N, dtype=jnp.int32)
    A_values = jax.random.randint(ks[2], (E, EA_COLS), 0, EA_VOCAB, dtype=jnp.int32)
    tuplefeat = jax.random.randint(ks[3], (T,), 0, T_VOCAB, dtype=jnp.int32)
    # learned parameters: per-column embedding tables (MultiEmbedding = sum of
    # per-column lookups), plus SingleEmbedding codebook for tuplefeat
    x_tables = jax.random.normal(ks[4], (X_COLS, X_VOCAB, D), dtype=jnp.float32) * 0.02
    ea_tables = jax.random.normal(ks[5], (EA_COLS, EA_VOCAB, D), dtype=jnp.float32) * 0.02
    tuple_table = jax.random.normal(ks[6], (T_VOCAB, D), dtype=jnp.float32) * 0.02
    return {
        "x": x,
        "A_indices": A_indices,
        "A_values": A_values,
        "tuplefeat": tuplefeat,
        "x_tables": x_tables,
        "ea_tables": ea_tables,
        "tuple_table": tuple_table,
    }


def _multi_embedding(tables, idx):
    # tables: [C, V, D], idx: [M, C]  -> sum over columns of table_c[idx[:, c]]
    out = jnp.zeros((idx.shape[0], tables.shape[-1]), dtype=tables.dtype)
    for c in range(tables.shape[0]):
        out = out + jnp.take(tables[c], idx[:, c], axis=0)
    return out


def reference(x, A_indices, A_values, tuplefeat, x_tables, ea_tables, tuple_table):
    # x_encoder: MultiEmbedding over categorical node features
    x_emb = _multi_embedding(x_tables, x)
    # ea_encoder: MultiEmbedding over sparse edge-attr values of A; the new
    # SparseTensor keeps A_indices and replaces values with ea_emb
    ea_emb = _multi_embedding(ea_tables, A_values)
    # tuple_encoder: SingleEmbedding lookup
    tuple_emb = jnp.take(tuple_table, tuplefeat, axis=0)
    return (x_emb, ea_emb, tuple_emb)

if __name__ == "__main__":
    import jax
    _d = setup_inputs()
    print(jax.jit(kernel)(*tuple(_d.values())))

</pallas_src>

<mosaic_0001>
#map = affine_map<(d0, d1) -> (0)>
#map1 = affine_map<(d0, d1) -> (0, 0)>
module attributes {stable_mosaic.version = 14 : i64} {
  func.func @_sc_gather(%arg0: i32, %arg1: i32, %arg2: memref<320000xi32, #tpu.memory_space<hbm>>, %arg3: memref<1024x128xf32, #tpu.memory_space<hbm>>, %arg4: memref<320000xi32, #tpu.memory_space<hbm>>, %arg5: memref<1024x128xf32, #tpu.memory_space<hbm>>, %arg6: memref<320000x128xf32, #tpu.memory_space<hbm>>, %arg7: memref<320000x128xf32, #tpu.memory_space<hbm>>, %arg8: memref<10000xi32, #tpu.memory_space<vmem>>, %arg9: memref<10000xi32, #tpu.memory_space<vmem>>, %arg10: memref<128x128xf32, #tpu.memory_space<vmem>>, %arg11: memref<128x128xf32, #tpu.memory_space<vmem>>, %arg12: memref<128x128xf32, #tpu.memory_space<vmem>>, %arg13: memref<128x128xf32, #tpu.memory_space<vmem>>, %arg14: memref<128x128xf32, #tpu.memory_space<vmem>>, %arg15: memref<128x128xf32, #tpu.memory_space<vmem>>, %arg16: memref<1024x128xf32, #tpu.memory_space<vmem_shared>>, %arg17: memref<32x128xf32, #tpu.memory_space<vmem_shared>>, %arg18: memref<!tpu.dma_semaphore, #tpu.memory_space<semaphore_mem>>, %arg19: memref<!tpu.dma_semaphore, #tpu.memory_space<semaphore_mem>>, %arg20: memref<!tpu.dma_semaphore, #tpu.memory_space<semaphore_mem>>) attributes {dimension_semantics = [#tpu.dimension_semantics<core_parallel>, #tpu.dimension_semantics<subcore_parallel>], iteration_bounds = array<i64: 2, 16>, scalar_prefetch = 0 : i64, scratch_operands = 13 : i64, tpu.core_type = #tpu.core_type<sc_vector_subcore>, window_params = [{transform_indices = #map}, {transform_indices = #map1}, {transform_indices = #map}, {transform_indices = #map1}, {transform_indices = #map1}, {transform_indices = #map1}]} {
    %mul3A = arith.constant 2 : i32
    %mul3A_0 = arith.muli %arg1, %mul3A : i32
    %add3A = arith.addi %mul3A_0, %arg0 : i32
    %mul3A_1 = arith.constant 10000 : i32
    %mul3A_2 = arith.muli %add3A, %mul3A_1 : i32
    %dma_start3A = tpu.memref_slice %arg2[%mul3A_2] : memref<320000xi32, #tpu.memory_space<hbm>> -> memref<10000xi32, #tpu.memory_space<hbm>>
    %dma_start3A_3 = tpu.memref_slice %arg2[%mul3A_2] : memref<320000xi32, #tpu.memory_space<hbm>> -> memref<10000xi32, #tpu.memory_space<hbm>>
    tpu.enqueue_dma source(%dma_start3A_3 : memref<10000xi32, #tpu.memory_space<hbm>>) target(%arg8 : memref<10000xi32, #tpu.memory_space<vmem>>) target_semaphore(%arg20 : memref<!tpu.dma_semaphore, #tpu.memory_space<semaphore_mem>>)
    %dma_start3A_4 = tpu.memref_slice %arg4[%mul3A_2] : memref<320000xi32, #tpu.memory_space<hbm>> -> memref<10000xi32, #tpu.memory_space<hbm>>
    %dma_start3A_5 = tpu.memref_slice %arg4[%mul3A_2] : memref<320000xi32, #tpu.memory_space<hbm>> -> memref<10000xi32, #tpu.memory_space<hbm>>
    tpu.enqueue_dma source(%dma_start3A_5 : memref<10000xi32, #tpu.memory_space<hbm>>) target(%arg9 : memref<10000xi32, #tpu.memory_space<vmem>>) target_semaphore(%arg20 : memref<!tpu.dma_semaphore, #tpu.memory_space<semaphore_mem>>)
    %eq3A = arith.constant 0 : i32
    %eq3A_6 = arith.cmpi eq, %arg1, %eq3A : i32
    %convert_element_type3A = arith.extui %eq3A_6 : i1 to i32
    %cond3A = arith.constant 0 : i32
    %cond3A_7 = arith.cmpi ne, %convert_element_type3A, %cond3A : i32
    scf.if %cond3A_7 {
      "tpu.region"() ({
        %run_scoped3A = tpu.sem_alloc : memref<!tpu.dma_semaphore, #tpu.memory_space<semaphore_mem>>
        tpu.enqueue_dma source(%arg3 : memref<1024x128xf32, #tpu.memory_space<hbm>>) target(%arg16 : memref<1024x128xf32, #tpu.memory_space<vmem_shared>>) target_semaphore(%run_scoped3A : memref<!tpu.dma_semaphore, #tpu.memory_space<semaphore_mem>>)
        tpu.wait_dma2 semaphore(%run_scoped3A : memref<!tpu.dma_semaphore, #tpu.memory_space<semaphore_mem>>) src(%arg3 : memref<1024x128xf32, #tpu.memory_space<hbm>>) dst(%arg16 : memref<1024x128xf32, #tpu.memory_space<vmem_shared>>)
        tpu.yield
      }) : () -> ()
      "tpu.region"() ({
        %run_scoped3A = tpu.sem_alloc : memref<!tpu.dma_semaphore, #tpu.memory_space<semaphore_mem>>
        %dma_start3A_106 = arith.constant 0 : i32
        %dma_start3A_107 = arith.constant 0 : i32
        %dma_start3A_108 = tpu.memref_slice %arg5[%dma_start3A_106, %dma_start3A_107] : memref<1024x128xf32, #tpu.memory_space<hbm>> -> memref<32x128xf32, #tpu.memory_space<hbm>>
        tpu.enqueue_dma source(%dma_start3A_108 : memref<32x128xf32, #tpu.memory_space<hbm>>) target(%arg17 : memref<32x128xf32, #tpu.memory_space<vmem_shared>>) target_semaphore(%run_scoped3A : memref<!tpu.dma_semaphore, #tpu.memory_space<semaphore_mem>>)
        %dma_wait3A_109 = arith.constant 0 : i32
        %dma_wait3A_110 = arith.constant 0 : i32
        %dma_wait3A_111 = tpu.memref_slice %arg5[%dma_wait3A_109, %dma_wait3A_110] : memref<1024x128xf32, #tpu.memory_space<hbm>> -> memref<32x128xf32, #tpu.memory_space<hbm>>
        tpu.wait_dma2 semaphore(%run_scoped3A : memref<!tpu.dma_semaphore, #tpu.memory_space<semaphore_mem>>) src(%dma_wait3A_111 : memref<32x128xf32, #tpu.memory_space<hbm>>) dst(%arg17 : memref<32x128xf32, #tpu.memory_space<vmem_shared>>)
        tpu.yield
      }) : () -> ()
    } else {
    }
    %dma_wait3A = tpu.memref_slice %arg2[%mul3A_2] : memref<320000xi32, #tpu.memory_space<hbm>> -> memref<10000xi32, #tpu.memory_space<hbm>>
    %dma_wait3A_8 = tpu.memref_slice %arg2[%mul3A_2] : memref<320000xi32, #tpu.memory_space<hbm>> -> memref<10000xi32, #tpu.memory_space<hbm>>
    tpu.wait_dma2 semaphore(%arg20 : memref<!tpu.dma_semaphore, #tpu.memory_space<semaphore_mem>>) src(%dma_wait3A_8 : memref<10000xi32, #tpu.memory_space<hbm>>) dst(%arg8 : memref<10000xi32, #tpu.memory_space<vmem>>)
    %dma_wait3A_9 = tpu.memref_slice %arg4[%mul3A_2] : memref<320000xi32, #tpu.memory_space<hbm>> -> memref<10000xi32, #tpu.memory_space<hbm>>
    %dma_wait3A_10 = tpu.memref_slice %arg4[%mul3A_2] : memref<320000xi32, #tpu.memory_space<hbm>> -> memref<10000xi32, #tpu.memory_space<hbm>>
    tpu.wait_dma2 semaphore(%arg20 : memref<!tpu.dma_semaphore, #tpu.memory_space<semaphore_mem>>) src(%dma_wait3A_10 : memref<10000xi32, #tpu.memory_space<hbm>>) dst(%arg9 : memref<10000xi32, #tpu.memory_space<vmem>>)
    %barrier3A = arith.constant 0 : index
    tpu.barrier barrier_id(%barrier3A)
    %scan3A = arith.constant 0 : i32
    %scan3A_11 = arith.constant 0 : i32
    %scan3A_12 = arith.constant 13 : i32
    %scan3A_13 = arith.addi %scan3A_11, %scan3A_12 : i32
    %scan3A_14 = arith.constant 1 : i32
    scf.for %scan3A_106 = %scan3A_11 to %scan3A_13 step %scan3A_14  : i32 {
      %gt3A = arith.constant 0 : i32
      %gt3A_107 = arith.cmpi sgt, %scan3A_106, %gt3A : i32
      %convert_element_type3A_108 = arith.extui %gt3A_107 : i1 to i32
      %cond3A_109 = arith.constant 0 : i32
      %cond3A_110 = arith.cmpi ne, %convert_element_type3A_108, %cond3A_109 : i32
      scf.if %cond3A_110 {
        %dma_wait3A_298 = arith.constant 0 : i32
        %dma_wait3A_299 = tpu.memref_slice %arg6[%mul3A_2, %dma_wait3A_298] : memref<320000x128xf32, #tpu.memory_space<hbm>> -> memref<128x128xf32, #tpu.memory_space<hbm>>
        %dma_wait3A_300 = arith.constant 0 : i32
        %dma_wait3A_301 = tpu.memref_slice %arg6[%mul3A_2, %dma_wait3A_300] : memref<320000x128xf32, #tpu.memory_space<hbm>> -> memref<128x128xf32, #tpu.memory_space<hbm>>
        tpu.wait_dma2 semaphore(%arg19 : memref<!tpu.dma_semaphore, #tpu.memory_space<semaphore_mem>>) src(%arg10 : memref<128x128xf32, #tpu.memory_space<vmem>>) dst(%dma_wait3A_301 : memref<128x128xf32, #tpu.memory_space<hbm>>)
      } else {
      }
      %mul3A_111 = arith.constant 6 : i32
      %mul3A_112 = arith.muli %scan3A_106, %mul3A_111 : i32
      %add3A_113 = arith.constant 0 : i32
      %add3A_114 = arith.addi %mul3A_112, %add3A_113 : i32
      %mul3A_115 = arith.constant 128 : i32
      %mul3A_116 = arith.muli %add3A_114, %mul3A_115 : i32
      %dma_start3A_117 = tpu.memref_slice %arg8[%mul3A_116] : memref<10000xi32, #tpu.memory_space<vmem>> -> memref<128xi32, #tpu.memory_space<vmem>>
      %dma_start3A_118 = arith.constant 0 : i32
      %dma_start3A_119 = arith.constant 0 : i32
      %dma_start3A_120 = tpu.memref_slice %arg16[%dma_start3A_118, %dma_start3A_119] : memref<1024x128xf32, #tpu.memory_space<vmem_shared>> -> memref<1024x128xf32, #tpu.memory_space<vmem_shared>>
      tpu.enqueue_indirect_dma source(%dma_start3A_120 : memref<1024x128xf32, #tpu.memory_space<vmem_shared>>) target(%arg10 : memref<128x128xf32, #tpu.memory_space<vmem>>) offsets(%dma_start3A_117 : memref<128xi32, #tpu.memory_space<vmem>>) semaphore(%arg18 : memref<!tpu.dma_semaphore, #tpu.memory_space<semaphore_mem>>)
      %gt3A_121 = arith.constant 0 : i32
      %gt3A_122 = arith.cmpi sgt, %scan3A_106, %gt3A_121 : i32
      %convert_element_type3A_123 = arith.extui %gt3A_122 : i1 to i32
      %cond3A_124 = arith.constant 0 : i32
      %cond3A_125 = arith.cmpi ne, %convert_element_type3A_123, %cond3A_124 : i32
      scf.if %cond3A_125 {
        %dma_wait3A_298 = arith.constant 0 : i32
        %dma_wait3A_299 = tpu.memref_slice %arg6[%mul3A_2, %dma_wait3A_298] : memref<320000x128xf32, #tpu.memory_space<hbm>> -> memref<128x128xf32, #tpu.memory_space<hbm>>
        %dma_wait3A_300 = arith.constant 0 : i32
        %dma_wait3A_301 = tpu.memref_slice %arg6[%mul3A_2, %dma_wait3A_300] : memref<320000x128xf32, #tpu.memory_space<hbm>> -> memref<128x128xf32, #tpu.memory_space<hbm>>
        tpu.wait_dma2 semaphore(%arg19 : memref<!tpu.dma_semaphore, #tpu.memory_space<semaphore_mem>>) src(%arg11 : memref<128x128xf32, #tpu.memory_space<vmem>>) dst(%dma_wait3A_301 : memref<128x128xf32, #tpu.memory_space<hbm>>)
      } else {
      }
      %mul3A_126 = arith.constant 6 : i32
      %mul3A_127 = arith.muli %scan3A_106, %mul3A_126 : i32
      %add3A_128 = arith.constant 1 : i32
      %add3A_129 = arith.addi %mul3A_127, %add3A_128 : i32
      %mul3A_130 = arith.constant 128 : i32
      %mul3A_131 = arith.muli %add3A_129, %mul3A_130 : i32
      %dma_start3A_132 = tpu.memref_slice %arg8[%mul3A_131] : memref<10000xi32, #tpu.memory_space<vmem>> -> memref<128xi32, #tpu.memory_space<vmem>>
      %dma_start3A_133 = arith.constant 0 : i32
      %dma_start3A_134 = arith.constant 0 : i32
      %dma_start3A_135 = tpu.memref_slice %arg16[%dma_start3A_133, %dma_start3A_134] : memref<1024x128xf32, #tpu.memory_space<vmem_shared>> -> memref<1024x128xf32, #tpu.memory_space<vmem_shared>>
      tpu.enqueue_indirect_dma source(%dma_start3A_135 : memref<1024x128xf32, #tpu.memory_space<vmem_shared>>) target(%arg11 : memref<128x128xf32, #tpu.memory_space<vmem>>) offsets(%dma_start3A_132 : memref<128xi32, #tpu.memory_space<vmem>>) semaphore(%arg18 : memref<!tpu.dma_semaphore, #tpu.memory_space<semaphore_mem>>)
      %gt3A_136 = arith.constant 0 : i32
      %gt3A_137 = arith.cmpi sgt, %scan3A_106, %gt3A_136 : i32
      %convert_element_type3A_138 = arith.extui %gt3A_137 : i1 to i32
      %cond3A_139 = arith.constant 0 : i32
      %cond3A_140 = arith.cmpi ne, %convert_element_type3A_138, %cond3A_139 : i32
      scf.if %cond3A_140 {
        %dma_wait3A_298 = arith.constant 0 : i32
        %dma_wait3A_299 = tpu.memref_slice %arg6[%mul3A_2, %dma_wait3A_298] : memref<320000x128xf32, #tpu.memory_space<hbm>> -> memref<128x128xf32, #tpu.memory_space<hbm>>
        %dma_wait3A_300 = arith.constant 0 : i32
        %dma_wait3A_301 = tpu.memref_slice %arg6[%mul3A_2, %dma_wait3A_300] : memref<320000x128xf32, #tpu.memory_space<hbm>> -> memref<128x128xf32, #tpu.memory_space<hbm>>
        tpu.wait_dma2 semaphore(%arg19 : memref<!tpu.dma_semaphore, #tpu.memory_space<semaphore_mem>>) src(%arg12 : memref<128x128xf32, #tpu.memory_space<vmem>>) dst(%dma_wait3A_301 : memref<128x128xf32, #tpu.memory_space<hbm>>)
      } else {
      }
      %mul3A_141 = arith.constant 6 : i32
      %mul3A_142 = arith.muli %scan3A_106, %mul3A_141 : i32
      %add3A_143 = arith.constant 2 : i32
      %add3A_144 = arith.addi %mul3A_142, %add3A_143 : i32
      %mul3A_145 = arith.constant 128 : i32
      %mul3A_146 = arith.muli %add3A_144, %mul3A_145 : i32
      %dma_start3A_147 = tpu.memref_slice %arg8[%mul3A_146] : memref<10000xi32, #tpu.memory_space<vmem>> -> memref<128xi32, #tpu.memory_space<vmem>>
      %dma_start3A_148 = arith.constant 0 : i32
      %dma_start3A_149 = arith.constant 0 : i32
      %dma_start3A_150 = tpu.memref_slice %arg16[%dma_start3A_148, %dma_start3A_149] : memref<1024x128xf32, #tpu.memory_space<vmem_shared>> -> memref<1024x128xf32, #tpu.memory_space<vmem_shared>>
      tpu.enqueue_indirect_dma source(%dma_start3A_150 : memref<1024x128xf32, #tpu.memory_space<vmem_shared>>) target(%arg12 : memref<128x128xf32, #tpu.memory_space<vmem>>) offsets(%dma_start3A_147 : memref<128xi32, #tpu.memory_space<vmem>>) semaphore(%arg18 : memref<!tpu.dma_semaphore, #tpu.memory_space<semaphore_mem>>)
      %gt3A_151 = arith.constant 0 : i32
      %gt3A_152 = arith.cmpi sgt, %scan3A_106, %gt3A_151 : i32
      %convert_element_type3A_153 = arith.extui %gt3A_152 : i1 to i32
      %cond3A_154 = arith.constant 0 : i32
      %cond3A_155 = arith.cmpi ne, %convert_element_type3A_153, %cond3A_154 : i32
      scf.if %cond3A_155 {
        %dma_wait3A_298 = arith.constant 0 : i32
        %dma_wait3A_299 = tpu.memref_slice %arg6[%mul3A_2, %dma_wait3A_298] : memref<320000x128xf32, #tpu.memory_space<hbm>> -> memref<128x128xf32, #tpu.memory_space<hbm>>
        %dma_wait3A_300 = arith.constant 0 : i32
        %dma_wait3A_301 = tpu.memref_slice %arg6[%mul3A_2, %dma_wait3A_300] : memref<320000x128xf32, #tpu.memory_space<hbm>> -> memref<128x128xf32, #tpu.memory_space<hbm>>
        tpu.wait_dma2 semaphore(%arg19 : memref<!tpu.dma_semaphore, #tpu.memory_space<semaphore_mem>>) src(%arg13 : memref<128x128xf32, #tpu.memory_space<vmem>>) dst(%dma_wait3A_301 : memref<128x128xf32, #tpu.memory_space<hbm>>)
      } else {
      }
      %mul3A_156 = arith.constant 6 : i32
      %mul3A_157 = arith.muli %scan3A_106, %mul3A_156 : i32
      %add3A_158 = arith.constant 3 : i32
      %add3A_159 = arith.addi %mul3A_157, %add3A_158 : i32
      %mul3A_160 = arith.constant 128 : i32
      %mul3A_161 = arith.muli %add3A_159, %mul3A_160 : i32
      %dma_start3A_162 = tpu.memref_slice %arg8[%mul3A_161] : memref<10000xi32, #tpu.memory_space<vmem>> -> memref<128xi32, #tpu.memory_space<vmem>>
      %dma_start3A_163 = arith.constant 0 : i32
      %dma_start3A_164 = arith.constant 0 : i32
      %dma_start3A_165 = tpu.memref_slice %arg16[%dma_start3A_163, %dma_start3A_164] : memref<1024x128xf32, #tpu.memory_space<vmem_shared>> -> memref<1024x128xf32, #tpu.memory_space<vmem_shared>>
      tpu.enqueue_indirect_dma source(%dma_start3A_165 : memref<1024x128xf32, #tpu.memory_space<vmem_shared>>) target(%arg13 : memref<128x128xf32, #tpu.memory_space<vmem>>) offsets(%dma_start3A_162 : memref<128xi32, #tpu.memory_space<vmem>>) semaphore(%arg18 : memref<!tpu.dma_semaphore, #tpu.memory_space<semaphore_mem>>)
      %gt3A_166 = arith.constant 0 : i32
      %gt3A_167 = arith.cmpi sgt, %scan3A_106, %gt3A_166 : i32
      %convert_element_type3A_168 = arith.extui %gt3A_167 : i1 to i32
      %cond3A_169 = arith.constant 0 : i32
      %cond3A_170 = arith.cmpi ne, %convert_element_type3A_168, %cond3A_169 : i32
      scf.if %cond3A_170 {
        %dma_wait3A_298 = arith.constant 0 : i32
        %dma_wait3A_299 = tpu.memref_slice %arg6[%mul3A_2, %dma_wait3A_298] : memref<320000x128xf32, #tpu.memory_space<hbm>> -> memref<128x128xf32, #tpu.memory_space<hbm>>
        %dma_wait3A_300 = arith.constant 0 : i32
        %dma_wait3A_301 = tpu.memref_slice %arg6[%mul3A_2, %dma_wait3A_300] : memref<320000x128xf32, #tpu.memory_space<hbm>> -> memref<128x128xf32, #tpu.memory_space<hbm>>
        tpu.wait_dma2 semaphore(%arg19 : memref<!tpu.dma_semaphore, #tpu.memory_space<semaphore_mem>>) src(%arg14 : memref<128x128xf32, #tpu.memory_space<vmem>>) dst(%dma_wait3A_301 : memref<128x128xf32, #tpu.memory_space<hbm>>)
      } else {
      }
      %mul3A_171 = arith.constant 6 : i32
      %mul3A_172 = arith.muli %scan3A_106, %mul3A_171 : i32
      %add3A_173 = arith.constant 4 : i32
      %add3A_174 = arith.addi %mul3A_172, %add3A_173 : i32
      %mul3A_175 = arith.constant 128 : i32
      %mul3A_176 = arith.muli %add3A_174, %mul3A_175 : i32
      %dma_start3A_177 = tpu.memref_slice %arg8[%mul3A_176] : memref<10000xi32, #tpu.memory_space<vmem>> -> memref<128xi32, #tpu.memory_space<vmem>>
      %dma_start3A_178 = arith.constant 0 : i32
      %dma_start3A_179 = arith.constant 0 : i32
      %dma_start3A_180 = tpu.memref_slice %arg16[%dma_start3A_178, %dma_start3A_179] : memref<1024x128xf32, #tpu.memory_space<vmem_shared>> -> memref<1024x128xf32, #tpu.memory_space<vmem_shared>>
      tpu.enqueue_indirect_dma source(%dma_start3A_180 : memref<1024x128xf32, #tpu.memory_space<vmem_shared>>) target(%arg14 : memref<128x128xf32, #tpu.memory_space<vmem>>) offsets(%dma_start3A_177 : memref<128xi32, #tpu.memory_space<vmem>>) semaphore(%arg18 : memref<!tpu.dma_semaphore, #tpu.memory_space<semaphore_mem>>)
      %gt3A_181 = arith.constant 0 : i32
      %gt3A_182 = arith.cmpi sgt, %scan3A_106, %gt3A_181 : i32
      %convert_element_type3A_183 = arith.extui %gt3A_182 : i1 to i32
      %cond3A_184 = arith.constant 0 : i32
      %cond3A_185 = arith.cmpi ne, %convert_element_type3A_183, %cond3A_184 : i32
      scf.if %cond3A_185 {
        %dma_wait3A_298 = arith.constant 0 : i32
        %dma_wait3A_299 = tpu.memref_slice %arg6[%mul3A_2, %dma_wait3A_298] : memref<320000x128xf32, #tpu.memory_space<hbm>> -> memref<128x128xf32, #tpu.memory_space<hbm>>
        %dma_wait3A_300 = arith.constant 0 : i32
        %dma_wait3A_301 = tpu.memref_slice %arg6[%mul3A_2, %dma_wait3A_300] : memref<320000x128xf32, #tpu.memory_space<hbm>> -> memref<128x128xf32, #tpu.memory_space<hbm>>
        tpu.wait_dma2 semaphore(%arg19 : memref<!tpu.dma_semaphore, #tpu.memory_space<semaphore_mem>>) src(%arg15 : memref<128x128xf32, #tpu.memory_space<vmem>>) dst(%dma_wait3A_301 : memref<128x128xf32, #tpu.memory_space<hbm>>)
      } else {
      }
      %mul3A_186 = arith.constant 6 : i32
      %mul3A_187 = arith.muli %scan3A_106, %mul3A_186 : i32
      %add3A_188 = arith.constant 5 : i32
      %add3A_189 = arith.addi %mul3A_187, %add3A_188 : i32
      %mul3A_190 = arith.constant 128 : i32
      %mul3A_191 = arith.muli %add3A_189, %mul3A_190 : i32
      %dma_start3A_192 = tpu.memref_slice %arg8[%mul3A_191] : memref<10000xi32, #tpu.memory_space<vmem>> -> memref<128xi32, #tpu.memory_space<vmem>>
      %dma_start3A_193 = arith.constant 0 : i32
      %dma_start3A_194 = arith.constant 0 : i32
      %dma_start3A_195 = tpu.memref_slice %arg16[%dma_start3A_193, %dma_start3A_194] : memref<1024x128xf32, #tpu.memory_space<vmem_shared>> -> memref<1024x128xf32, #tpu.memory_space<vmem_shared>>
      tpu.enqueue_indirect_dma source(%dma_start3A_195 : memref<1024x128xf32, #tpu.memory_space<vmem_shared>>) target(%arg15 : memref<128x128xf32, #tpu.memory_space<vmem>>) offsets(%dma_start3A_192 : memref<128xi32, #tpu.memory_space<vmem>>) semaphore(%arg18 : memref<!tpu.dma_semaphore, #tpu.memory_space<semaphore_mem>>)
      %mul3A_196 = arith.constant 6 : i32
      %mul3A_197 = arith.muli %scan3A_106, %mul3A_196 : i32
      %add3A_198 = arith.constant 0 : i32
      %add3A_199 = arith.addi %mul3A_197, %add3A_198 : i32
      %mul3A_200 = arith.constant 128 : i32
      %mul3A_201 = arith.muli %add3A_199, %mul3A_200 : i32
      %dma_wait3A_202 = tpu.memref_slice %arg8[%mul3A_201] : memref<10000xi32, #tpu.memory_space<vmem>> -> memref<128xi32, #tpu.memory_space<vmem>>
      %dma_wait3A_203 = arith.constant 0 : i32
      %dma_wait3A_204 = arith.constant 0 : i32
      %dma_wait3A_205 = tpu.memref_slice %arg16[%dma_wait3A_203, %dma_wait3A_204] : memref<1024x128xf32, #tpu.memory_space<vmem_shared>> -> memref<1024x128xf32, #tpu.memory_space<vmem_shared>>
      tpu.wait_indirect_dma semaphore(%arg18 : memref<!tpu.dma_semaphore, #tpu.memory_space<semaphore_mem>>) src(%dma_wait3A_205 : memref<1024x128xf32, #tpu.memory_space<vmem_shared>>) dst(%arg10 : memref<128x128xf32, #tpu.memory_space<vmem>>)
      %mul3A_206 = arith.constant 128 : i32
      %mul3A_207 = arith.muli %add3A_199, %mul3A_206 : i32
      %add3A_208 = arith.addi %mul3A_2, %mul3A_207 : i32
      %dma_start3A_209 = arith.constant 0 : i32
      %dma_start3A_210 = tpu.memref_slice %arg6[%add3A_208, %dma_start3A_209] : memref<320000x128xf32, #tpu.memory_space<hbm>> -> memref<128x128xf32, #tpu.memory_space<hbm>>
      %dma_start3A_211 = arith.constant 0 : i32
      %dma_start3A_212 = tpu.memref_slice %arg6[%add3A_208, %dma_start3A_211] : memref<320000x128xf32, #tpu.memory_space<hbm>> -> memref<128x128xf32, #tpu.memory_space<hbm>>
      tpu.enqueue_dma source(%arg10 : memref<128x128xf32, #tpu.memory_space<vmem>>) target(%dma_start3A_212 : memref<128x128xf32, #tpu.memory_space<hbm>>) target_semaphore(%arg19 : memref<!tpu.dma_semaphore, #tpu.memory_space<semaphore_mem>>)
      %mul3A_213 = arith.constant 6 : i32
      %mul3A_214 = arith.muli %scan3A_106, %mul3A_213 : i32
      %add3A_215 = arith.constant 1 : i32
      %add3A_216 = arith.addi %mul3A_214, %add3A_215 : i32
      %mul3A_217 = arith.constant 128 : i32
      %mul3A_218 = arith.muli %add3A_216, %mul3A_217 : i32
      %dma_wait3A_219 = tpu.memref_slice %arg8[%mul3A_218] : memref<10000xi32, #tpu.memory_space<vmem>> -> memref<128xi32, #tpu.memory_space<vmem>>
      %dma_wait3A_220 = arith.constant 0 : i32
      %dma_wait3A_221 = arith.constant 0 : i32
      %dma_wait3A_222 = tpu.memref_slice %arg16[%dma_wait3A_220, %dma_wait3A_221] : memref<1024x128xf32, #tpu.memory_space<vmem_shared>> -> memref<1024x128xf32, #tpu.memory_space<vmem_shared>>
      tpu.wait_indirect_dma semaphore(%arg18 : memref<!tpu.dma_semaphore, #tpu.memory_space<semaphore_mem>>) src(%dma_wait3A_222 : memref<1024x128xf32, #tpu.memory_space<vmem_shared>>) dst(%arg11 : memref<128x128xf32, #tpu.memory_space<vmem>>)
      %mul3A_223 = arith.constant 128 : i32
      %mul3A_224 = arith.muli %add3A_216, %mul3A_223 : i32
      %add3A_225 = arith.addi %mul3A_2, %mul3A_224 : i32
      %dma_start3A_226 = arith.constant 0 : i32
      %dma_start3A_227 = tpu.memref_slice %arg6[%add3A_225, %dma_start3A_226] : memref<320000x128xf32, #tpu.memory_space<hbm>> -> memref<128x128xf32, #tpu.memory_space<hbm>>
      %dma_start3A_228 = arith.constant 0 : i32
      %dma_start3A_229 = tpu.memref_slice %arg6[%add3A_225, %dma_start3A_228] : memref<320000x128xf32, #tpu.memory_space<hbm>> -> memref<128x128xf32, #tpu.memory_space<hbm>>
      tpu.enqueue_dma source(%arg11 : memref<128x128xf32, #tpu.memory_space<vmem>>) target(%dma_start3A_229 : memref<128x128xf32, #tpu.memory_space<hbm>>) target_semaphore(%arg19 : memref<!tpu.dma_semaphore, #tpu.memory_space<semaphore_mem>>)
      %mul3A_230 = arith.constant 6 : i32
      %mul3A_231 = arith.muli %scan3A_106, %mul3A_230 : i32
      %add3A_232 = arith.constant 2 : i32
      %add3A_233 = arith.addi %mul3A_231, %add3A_232 : i32
      %mul3A_234 = arith.constant 128 : i32
      %mul3A_235 = arith.muli %add3A_233, %mul3A_234 : i32
      %dma_wait3A_236 = tpu.memref_slice %arg8[%mul3A_235] : memref<10000xi32, #tpu.memory_space<vmem>> -> memref<128xi32, #tpu.memory_space<vmem>>
      %dma_wait3A_237 = arith.constant 0 : i32
      %dma_wait3A_238 = arith.constant 0 : i32
      %dma_wait3A_239 = tpu.memref_slice %arg16[%dma_wait3A_237, %dma_wait3A_238] : memref<1024x128xf32, #tpu.memory_space<vmem_shared>> -> memref<1024x128xf32, #tpu.memory_space<vmem_shared>>
      tpu.wait_indirect_dma semaphore(%arg18 : memref<!tpu.dma_semaphore, #tpu.memory_space<semaphore_mem>>) src(%dma_wait3A_239 : memref<1024x128xf32, #tpu.memory_space<vmem_shared>>) dst(%arg12 : memref<128x128xf32, #tpu.memory_space<vmem>>)
      %mul3A_240 = arith.constant 128 : i32
      %mul3A_241 = arith.muli %add3A_233, %mul3A_240 : i32
      %add3A_242 = arith.addi %mul3A_2, %mul3A_241 : i32
      %dma_start3A_243 = arith.constant 0 : i32
      %dma_start3A_244 = tpu.memref_slice %arg6[%add3A_242, %dma_start3A_243] : memref<320000x128xf32, #tpu.memory_space<hbm>> -> memref<128x128xf32, #tpu.memory_space<hbm>>
      %dma_start3A_245 = arith.constant 0 : i32
      %dma_start3A_246 = tpu.memref_slice %arg6[%add3A_242, %dma_start3A_245] : memref<320000x128xf32, #tpu.memory_space<hbm>> -> memref<128x128xf32, #tpu.memory_space<hbm>>
      tpu.enqueue_dma source(%arg12 : memref<128x128xf32, #tpu.memory_space<vmem>>) target(%dma_start3A_246 : memref<128x128xf32, #tpu.memory_space<hbm>>) target_semaphore(%arg19 : memref<!tpu.dma_semaphore, #tpu.memory_space<semaphore_mem>>)
      %mul3A_247 = arith.constant 6 : i32
      %mul3A_248 = arith.muli %scan3A_106, %mul3A_247 : i32
      %add3A_249 = arith.constant 3 : i32
      %add3A_250 = arith.addi %mul3A_248, %add3A_249 : i32
      %mul3A_251 = arith.constant 128 : i32
      %mul3A_252 = arith.muli %add3A_250, %mul3A_251 : i32
      %dma_wait3A_253 = tpu.memref_slice %arg8[%mul3A_252] : memref<10000xi32, #tpu.memory_space<vmem>> -> memref<128xi32, #tpu.memory_space<vmem>>
      %dma_wait3A_254 = arith.constant 0 : i32
      %dma_wait3A_255 = arith.constant 0 : i32
      %dma_wait3A_256 = tpu.memref_slice %arg16[%dma_wait3A_254, %dma_wait3A_255] : memref<1024x128xf32, #tpu.memory_space<vmem_shared>> -> memref<1024x128xf32, #tpu.memory_space<vmem_shared>>
      tpu.wait_indirect_dma semaphore(%arg18 : memref<!tpu.dma_semaphore, #tpu.memory_space<semaphore_mem>>) src(%dma_wait3A_256 : memref<1024x128xf32, #tpu.memory_space<vmem_shared>>) dst(%arg13 : memref<128x128xf32, #tpu.memory_space<vmem>>)
      %mul3A_257 = arith.constant 128 : i32
      %mul3A_258 = arith.muli %add3A_250, %mul3A_257 : i32
      %add3A_259 = arith.addi %mul3A_2, %mul3A_258 : i32
      %dma_start3A_260 = arith.constant 0 : i32
      %dma_start3A_261 = tpu.memref_slice %arg6[%add3A_259, %dma_start3A_260] : memref<320000x128xf32, #tpu.memory_space<hbm>> -> memref<128x128xf32, #tpu.memory_space<hbm>>
      %dma_start3A_262 = arith.constant 0 : i32
      %dma_start3A_263 = tpu.memref_slice %arg6[%add3A_259, %dma_start3A_262] : memref<320000x128xf32, #tpu.memory_space<hbm>> -> memref<128x128xf32, #tpu.memory_space<hbm>>
      tpu.enqueue_dma source(%arg13 : memref<128x128xf32, #tpu.memory_space<vmem>>) target(%dma_start3A_263 : memref<128x128xf32, #tpu.memory_space<hbm>>) target_semaphore(%arg19 : memref<!tpu.dma_semaphore, #tpu.memory_space<semaphore_mem>>)
      %mul3A_264 = arith.constant 6 : i32
      %mul3A_265 = arith.muli %scan3A_106, %mul3A_264 : i32
      %add3A_266 = arith.constant 4 : i32
      %add3A_267 = arith.addi %mul3A_265, %add3A_266 : i32
      %mul3A_268 = arith.constant 128 : i32
      %mul3A_269 = arith.muli %add3A_267, %mul3A_268 : i32
      %dma_wait3A_270 = tpu.memref_slice %arg8[%mul3A_269] : memref<10000xi32, #tpu.memory_space<vmem>> -> memref<128xi32, #tpu.memory_space<vmem>>
      %dma_wait3A_271 = arith.constant 0 : i32
      %dma_wait3A_272 = arith.constant 0 : i32
      %dma_wait3A_273 = tpu.memref_slice %arg16[%dma_wait3A_271, %dma_wait3A_272] : memref<1024x128xf32, #tpu.memory_space<vmem_shared>> -> memref<1024x128xf32, #tpu.memory_space<vmem_shared>>
      tpu.wait_indirect_dma semaphore(%arg18 : memref<!tpu.dma_semaphore, #tpu.memory_space<semaphore_mem>>) src(%dma_wait3A_273 : memref<1024x128xf32, #tpu.memory_space<vmem_shared>>) dst(%arg14 : memref<128x128xf32, #tpu.memory_space<vmem>>)
      %mul3A_274 = arith.constant 128 : i32
      %mul3A_275 = arith.muli %add3A_267, %mul3A_274 : i32
      %add3A_276 = arith.addi %mul3A_2, %mul3A_275 : i32
      %dma_start3A_277 = arith.constant 0 : i32
      %dma_start3A_278 = tpu.memref_slice %arg6[%add3A_276, %dma_start3A_277] : memref<320000x128xf32, #tpu.memory_space<hbm>> -> memref<128x128xf32, #tpu.memory_space<hbm>>
      %dma_start3A_279 = arith.constant 0 : i32
      %dma_start3A_280 = tpu.memref_slice %arg6[%add3A_276, %dma_start3A_279] : memref<320000x128xf32, #tpu.memory_space<hbm>> -> memref<128x128xf32, #tpu.memory_space<hbm>>
      tpu.enqueue_dma source(%arg14 : memref<128x128xf32, #tpu.memory_space<vmem>>) target(%dma_start3A_280 : memref<128x128xf32, #tpu.memory_space<hbm>>) target_semaphore(%arg19 : memref<!tpu.dma_semaphore, #tpu.memory_space<semaphore_mem>>)
      %mul3A_281 = arith.constant 6 : i32
      %mul3A_282 = arith.muli %scan3A_106, %mul3A_281 : i32
      %add3A_283 = arith.constant 5 : i32
      %add3A_284 = arith.addi %mul3A_282, %add3A_283 : i32
      %mul3A_285 = arith.constant 128 : i32
      %mul3A_286 = arith.muli %add3A_284, %mul3A_285 : i32
      %dma_wait3A_287 = tpu.memref_slice %arg8[%mul3A_286] : memref<10000xi32, #tpu.memory_space<vmem>> -> memref<128xi32, #tpu.memory_space<vmem>>
      %dma_wait3A_288 = arith.constant 0 : i32
      %dma_wait3A_289 = arith.constant 0 : i32
      %dma_wait3A_290 = tpu.memref_slice %arg16[%dma_wait3A_288, %dma_wait3A_289] : memref<1024x128xf32, #tpu.memory_space<vmem_shared>> -> memref<1024x128xf32, #tpu.memory_space<vmem_shared>>
      tpu.wait_indirect_dma semaphore(%arg18 : memref<!tpu.dma_semaphore, #tpu.memory_space<semaphore_mem>>) src(%dma_wait3A_290 : memref<1024x128xf32, #tpu.memory_space<vmem_shared>>) dst(%arg15 : memref<128x128xf32, #tpu.memory_space<vmem>>)
      %mul3A_291 = arith.constant 128 : i32
      %mul3A_292 = arith.muli %add3A_284, %mul3A_291 : i32
      %add3A_293 = arith.addi %mul3A_2, %mul3A_292 : i32
      %dma_start3A_294 = arith.constant 0 : i32
      %dma_start3A_295 = tpu.memref_slice %arg6[%add3A_293, %dma_start3A_294] : memref<320000x128xf32, #tpu.memory_space<hbm>> -> memref<128x128xf32, #tpu.memory_space<hbm>>
      %dma_start3A_296 = arith.constant 0 : i32
      %dma_start3A_297 = tpu.memref_slice %arg6[%add3A_293, %dma_start3A_296] : memref<320000x128xf32, #tpu.memory_space<hbm>> -> memref<128x128xf32, #tpu.memory_space<hbm>>
      tpu.enqueue_dma source(%arg15 : memref<128x128xf32, #tpu.memory_space<vmem>>) target(%dma_start3A_297 : memref<128x128xf32, #tpu.memory_space<hbm>>) target_semaphore(%arg19 : memref<!tpu.dma_semaphore, #tpu.memory_space<semaphore_mem>>)
    }
    %scan3A_15 = arith.constant 13 : i32
    %dma_wait3A_16 = arith.constant 0 : i32
    %dma_wait3A_17 = tpu.memref_slice %arg6[%mul3A_2, %dma_wait3A_16] : memref<320000x128xf32, #tpu.memory_space<hbm>> -> memref<128x128xf32, #tpu.memory_space<hbm>>
    %dma_wait3A_18 = arith.constant 0 : i32
    %dma_wait3A_19 = tpu.memref_slice %arg6[%mul3A_2, %dma_wait3A_18] : memref<320000x128xf32, #tpu.memory_space<hbm>> -> memref<128x128xf32, #tpu.memory_space<hbm>>
    tpu.wait_dma2 semaphore(%arg19 : memref<!tpu.dma_semaphore, #tpu.memory_space<semaphore_mem>>) src(%arg10 : memref<128x128xf32, #tpu.memory_space<vmem>>) dst(%dma_wait3A_19 : memref<128x128xf32, #tpu.memory_space<hbm>>)
    %dma_wait3A_20 = arith.constant 0 : i32
    %dma_wait3A_21 = tpu.memref_slice %arg6[%mul3A_2, %dma_wait3A_20] : memref<320000x128xf32, #tpu.memory_space<hbm>> -> memref<128x128xf32, #tpu.memory_space<hbm>>
    %dma_wait3A_22 = arith.constant 0 : i32
    %dma_wait3A_23 = tpu.memref_slice %arg6[%mul3A_2, %dma_wait3A_22] : memref<320000x128xf32, #tpu.memory_space<hbm>> -> memref<128x128xf32, #tpu.memory_space<hbm>>
    tpu.wait_dma2 semaphore(%arg19 : memref<!tpu.dma_semaphore, #tpu.memory_space<semaphore_mem>>) src(%arg11 : memref<128x128xf32, #tpu.memory_space<vmem>>) dst(%dma_wait3A_23 : memref<128x128xf32, #tpu.memory_space<hbm>>)
    %dma_wait3A_24 = arith.constant 0 : i32
    %dma_wait3A_25 = tpu.memref_slice %arg6[%mul3A_2, %dma_wait3A_24] : memref<320000x128xf32, #tpu.memory_space<hbm>> -> memref<128x128xf32, #tpu.memory_space<hbm>>
    %dma_wait3A_26 = arith.constant 0 : i32
    %dma_wait3A_27 = tpu.memref_slice %arg6[%mul3A_2, %dma_wait3A_26] : memref<320000x128xf32, #tpu.memory_space<hbm>> -> memref<128x128xf32, #tpu.memory_space<hbm>>
    tpu.wait_dma2 semaphore(%arg19 : memref<!tpu.dma_semaphore, #tpu.memory_space<semaphore_mem>>) src(%arg12 : memref<128x128xf32, #tpu.memory_space<vmem>>) dst(%dma_wait3A_27 : memref<128x128xf32, #tpu.memory_space<hbm>>)
    %dma_wait3A_28 = arith.constant 0 : i32
    %dma_wait3A_29 = tpu.memref_slice %arg6[%mul3A_2, %dma_wait3A_28] : memref<320000x128xf32, #tpu.memory_space<hbm>> -> memref<128x128xf32, #tpu.memory_space<hbm>>
    %dma_wait3A_30 = arith.constant 0 : i32
    %dma_wait3A_31 = tpu.memref_slice %arg6[%mul3A_2, %dma_wait3A_30] : memref<320000x128xf32, #tpu.memory_space<hbm>> -> memref<128x128xf32, #tpu.memory_space<hbm>>
    tpu.wait_dma2 semaphore(%arg19 : memref<!tpu.dma_semaphore, #tpu.memory_space<semaphore_mem>>) src(%arg13 : memref<128x128xf32, #tpu.memory_space<vmem>>) dst(%dma_wait3A_31 : memref<128x128xf32, #tpu.memory_space<hbm>>)
    %dma_wait3A_32 = arith.constant 0 : i32
    %dma_wait3A_33 = tpu.memref_slice %arg6[%mul3A_2, %dma_wait3A_32] : memref<320000x128xf32, #tpu.memory_space<hbm>> -> memref<128x128xf32, #tpu.memory_space<hbm>>
    %dma_wait3A_34 = arith.constant 0 : i32
    %dma_wait3A_35 = tpu.memref_slice %arg6[%mul3A_2, %dma_wait3A_34] : memref<320000x128xf32, #tpu.memory_space<hbm>> -> memref<128x128xf32, #tpu.memory_space<hbm>>
    tpu.wait_dma2 semaphore(%arg19 : memref<!tpu.dma_semaphore, #tpu.memory_space<semaphore_mem>>) src(%arg14 : memref<128x128xf32, #tpu.memory_space<vmem>>) dst(%dma_wait3A_35 : memref<128x128xf32, #tpu.memory_space<hbm>>)
    %dma_wait3A_36 = arith.constant 0 : i32
    %dma_wait3A_37 = tpu.memref_slice %arg6[%mul3A_2, %dma_wait3A_36] : memref<320000x128xf32, #tpu.memory_space<hbm>> -> memref<128x128xf32, #tpu.memory_space<hbm>>
    %dma_wait3A_38 = arith.constant 0 : i32
    %dma_wait3A_39 = tpu.memref_slice %arg6[%mul3A_2, %dma_wait3A_38] : memref<320000x128xf32, #tpu.memory_space<hbm>> -> memref<128x128xf32, #tpu.memory_space<hbm>>
    tpu.wait_dma2 semaphore(%arg19 : memref<!tpu.dma_semaphore, #tpu.memory_space<semaphore_mem>>) src(%arg15 : memref<128x128xf32, #tpu.memory_space<vmem>>) dst(%dma_wait3A_39 : memref<128x128xf32, #tpu.memory_space<hbm>>)
    %add3A_40 = arith.constant 9984 : i32
    %add3A_41 = arith.addi %mul3A_2, %add3A_40 : i32
    %dma_start3A_42 = arith.constant 0 : i32
    %dma_start3A_43 = arith.constant 0 : i32
    %dma_start3A_44 = tpu.memref_slice %arg10[%dma_start3A_42, %dma_start3A_43] : memref<128x128xf32, #tpu.memory_space<vmem>> -> memref<16x128xf32, #tpu.memory_space<vmem>>
    %dma_start3A_45 = arith.constant 9984 : i32
    %dma_start3A_46 = tpu.memref_slice %arg8[%dma_start3A_45] : memref<10000xi32, #tpu.memory_space<vmem>> -> memref<16xi32, #tpu.memory_space<vmem>>
    %dma_start3A_47 = arith.constant 0 : i32
    %dma_start3A_48 = arith.constant 0 : i32
    %dma_start3A_49 = tpu.memref_slice %arg16[%dma_start3A_47, %dma_start3A_48] : memref<1024x128xf32, #tpu.memory_space<vmem_shared>> -> memref<1024x128xf32, #tpu.memory_space<vmem_shared>>
    tpu.enqueue_indirect_dma source(%dma_start3A_49 : memref<1024x128xf32, #tpu.memory_space<vmem_shared>>) target(%dma_start3A_44 : memref<16x128xf32, #tpu.memory_space<vmem>>) offsets(%dma_start3A_46 : memref<16xi32, #tpu.memory_space<vmem>>) semaphore(%arg18 : memref<!tpu.dma_semaphore, #tpu.memory_space<semaphore_mem>>)
    %dma_wait3A_50 = arith.constant 0 : i32
    %dma_wait3A_51 = arith.constant 0 : i32
    %dma_wait3A_52 = tpu.memref_slice %arg10[%dma_wait3A_50, %dma_wait3A_51] : memref<128x128xf32, #tpu.memory_space<vmem>> -> memref<16x128xf32, #tpu.memory_space<vmem>>
    %dma_wait3A_53 = arith.constant 9984 : i32
    %dma_wait3A_54 = tpu.memref_slice %arg8[%dma_wait3A_53] : memref<10000xi32, #tpu.memory_space<vmem>> -> memref<16xi32, #tpu.memory_space<vmem>>
    %dma_wait3A_55 = arith.constant 0 : i32
    %dma_wait3A_56 = arith.constant 0 : i32
    %dma_wait3A_57 = tpu.memref_slice %arg16[%dma_wait3A_55, %dma_wait3A_56] : memref<1024x128xf32, #tpu.memory_space<vmem_shared>> -> memref<1024x128xf32, #tpu.memory_space<vmem_shared>>
    tpu.wait_indirect_dma semaphore(%arg18 : memref<!tpu.dma_semaphore, #tpu.memory_space<semaphore_mem>>) src(%dma_wait3A_57 : memref<1024x128xf32, #tpu.memory_space<vmem_shared>>) dst(%dma_wait3A_52 : memref<16x128xf32, #tpu.memory_space<vmem>>)
    "tpu.region"() ({
      %run_scoped3A = tpu.sem_alloc : memref<!tpu.dma_semaphore, #tpu.memory_space<semaphore_mem>>
      %dma_start3A_106 = arith.constant 0 : i32
      %dma_start3A_107 = arith.constant 0 : i32
      %dma_start3A_108 = tpu.memref_slice %arg10[%dma_start3A_106, %dma_start3A_107] : memref<128x128xf32, #tpu.memory_space<vmem>> -> memref<16x128xf32, #tpu.memory_space<vmem>>
      %dma_start3A_109 = arith.constant 0 : i32
      %dma_start3A_110 = tpu.memref_slice %arg6[%add3A_41, %dma_start3A_109] : memref<320000x128xf32, #tpu.memory_space<hbm>> -> memref<16x128xf32, #tpu.memory_space<hbm>>
      %dma_start3A_111 = arith.constant 0 : i32
      %dma_start3A_112 = tpu.memref_slice %arg6[%add3A_41, %dma_start3A_111] : memref<320000x128xf32, #tpu.memory_space<hbm>> -> memref<16x128xf32, #tpu.memory_space<hbm>>
      %dma_start3A_113 = arith.constant 0 : i32
      %dma_start3A_114 = arith.constant 0 : i32
      %dma_start3A_115 = tpu.memref_slice %arg10[%dma_start3A_113, %dma_start3A_114] : memref<128x128xf32, #tpu.memory_space<vmem>> -> memref<16x128xf32, #tpu.memory_space<vmem>>
      tpu.enqueue_dma source(%dma_start3A_115 : memref<16x128xf32, #tpu.memory_space<vmem>>) target(%dma_start3A_112 : memref<16x128xf32, #tpu.memory_space<hbm>>) target_semaphore(%run_scoped3A : memref<!tpu.dma_semaphore, #tpu.memory_space<semaphore_mem>>)
      %dma_wait3A_116 = arith.constant 0 : i32
      %dma_wait3A_117 = arith.constant 0 : i32
      %dma_wait3A_118 = tpu.memref_slice %arg10[%dma_wait3A_116, %dma_wait3A_117] : memref<128x128xf32, #tpu.memory_space<vmem>> -> memref<16x128xf32, #tpu.memory_space<vmem>>
      %dma_wait3A_119 = arith.constant 0 : i32
      %dma_wait3A_120 = tpu.memref_slice %arg6[%add3A_41, %dma_wait3A_119] : memref<320000x128xf32, #tpu.memory_space<hbm>> -> memref<16x128xf32, #tpu.memory_space<hbm>>
      %dma_wait3A_121 = arith.constant 0 : i32
      %dma_wait3A_122 = tpu.memref_slice %arg6[%add3A_41, %dma_wait3A_121] : memref<320000x128xf32, #tpu.memory_space<hbm>> -> memref<16x128xf32, #tpu.memory_space<hbm>>
      %dma_wait3A_123 = arith.constant 0 : i32
      %dma_wait3A_124 = arith.constant 0 : i32
      %dma_wait3A_125 = tpu.memref_slice %arg10[%dma_wait3A_123, %dma_wait3A_124] : memref<128x128xf32, #tpu.memory_space<vmem>> -> memref<16x128xf32, #tpu.memory_space<vmem>>
      tpu.wait_dma2 semaphore(%run_scoped3A : memref<!tpu.dma_semaphore, #tpu.memory_space<semaphore_mem>>) src(%dma_wait3A_125 : memref<16x128xf32, #tpu.memory_space<vmem>>) dst(%dma_wait3A_122 : memref<16x128xf32, #tpu.memory_space<hbm>>)
      tpu.yield
    }) : () -> ()
    %scan3A_58 = arith.constant 0 : i32
    %scan3A_59 = arith.constant 0 : i32
    %scan3A_60 = arith.constant 13 : i32
    %scan3A_61 = arith.addi %scan3A_59, %scan3A_60 : i32
    %scan3A_62 = arith.constant 1 : i32
    scf.for %scan3A_106 = %scan3A_59 to %scan3A_61 step %scan3A_62  : i32 {
      %gt3A = arith.constant 0 : i32
      %gt3A_107 = arith.cmpi sgt, %scan3A_106, %gt3A : i32
      %convert_element_type3A_108 = arith.extui %gt3A_107 : i1 to i32
      %cond3A_109 = arith.constant 0 : i32
      %cond3A_110 = arith.cmpi ne, %convert_element_type3A_108, %cond3A_109 : i32
      scf.if %cond3A_110 {
        %dma_wait3A_298 = arith.constant 0 : i32
        %dma_wait3A_299 = tpu.memref_slice %arg7[%mul3A_2, %dma_wait3A_298] : memref<320000x128xf32, #tpu.memory_space<hbm>> -> memref<128x128xf32, #tpu.memory_space<hbm>>
        %dma_wait3A_300 = arith.constant 0 : i32
        %dma_wait3A_301 = tpu.memref_slice %arg7[%mul3A_2, %dma_wait3A_300] : memref<320000x128xf32, #tpu.memory_space<hbm>> -> memref<128x128xf32, #tpu.memory_space<hbm>>
        tpu.wait_dma2 semaphore(%arg19 : memref<!tpu.dma_semaphore, #tpu.memory_space<semaphore_mem>>) src(%arg10 : memref<128x128xf32, #tpu.memory_space<vmem>>) dst(%dma_wait3A_301 : memref<128x128xf32, #tpu.memory_space<hbm>>)
      } else {
      }
      %mul3A_111 = arith.constant 6 : i32
      %mul3A_112 = arith.muli %scan3A_106, %mul3A_111 : i32
      %add3A_113 = arith.constant 0 : i32
      %add3A_114 = arith.addi %mul3A_112, %add3A_113 : i32
      %mul3A_115 = arith.constant 128 : i32
      %mul3A_116 = arith.muli %add3A_114, %mul3A_115 : i32
      %dma_start3A_117 = tpu.memref_slice %arg9[%mul3A_116] : memref<10000xi32, #tpu.memory_space<vmem>> -> memref<128xi32, #tpu.memory_space<vmem>>
      %dma_start3A_118 = arith.constant 0 : i32
      %dma_start3A_119 = arith.constant 0 : i32
      %dma_start3A_120 = tpu.memref_slice %arg17[%dma_start3A_118, %dma_start3A_119] : memref<32x128xf32, #tpu.memory_space<vmem_shared>> -> memref<32x128xf32, #tpu.memory_space<vmem_shared>>
      tpu.enqueue_indirect_dma source(%dma_start3A_120 : memref<32x128xf32, #tpu.memory_space<vmem_shared>>) target(%arg10 : memref<128x128xf32, #tpu.memory_space<vmem>>) offsets(%dma_start3A_117 : memref<128xi32, #tpu.memory_space<vmem>>) semaphore(%arg18 : memref<!tpu.dma_semaphore, #tpu.memory_space<semaphore_mem>>)
      %gt3A_121 = arith.constant 0 : i32
      %gt3A_122 = arith.cmpi sgt, %scan3A_106, %gt3A_121 : i32
      %convert_element_type3A_123 = arith.extui %gt3A_122 : i1 to i32
      %cond3A_124 = arith.constant 0 : i32
      %cond3A_125 = arith.cmpi ne, %convert_element_type3A_123, %cond3A_124 : i32
      scf.if %cond3A_125 {
        %dma_wait3A_298 = arith.constant 0 : i32
        %dma_wait3A_299 = tpu.memref_slice %arg7[%mul3A_2, %dma_wait3A_298] : memref<320000x128xf32, #tpu.memory_space<hbm>> -> memref<128x128xf32, #tpu.memory_space<hbm>>
        %dma_wait3A_300 = arith.constant 0 : i32
        %dma_wait3A_301 = tpu.memref_slice %arg7[%mul3A_2, %dma_wait3A_300] : memref<320000x128xf32, #tpu.memory_space<hbm>> -> memref<128x128xf32, #tpu.memory_space<hbm>>
        tpu.wait_dma2 semaphore(%arg19 : memref<!tpu.dma_semaphore, #tpu.memory_space<semaphore_mem>>) src(%arg11 : memref<128x128xf32, #tpu.memory_space<vmem>>) dst(%dma_wait3A_301 : memref<128x128xf32, #tpu.memory_space<hbm>>)
      } else {
      }
      %mul3A_126 = arith.constant 6 : i32
      %mul3A_127 = arith.muli %scan3A_106, %mul3A_126 : i32
      %add3A_128 = arith.constant 1 : i32
      %add3A_129 = arith.addi %mul3A_127, %add3A_128 : i32
      %mul3A_130 = arith.constant 128 : i32
      %mul3A_131 = arith.muli %add3A_129, %mul3A_130 : i32
      %dma_start3A_132 = tpu.memref_slice %arg9[%mul3A_131] : memref<10000xi32, #tpu.memory_space<vmem>> -> memref<128xi32, #tpu.memory_space<vmem>>
      %dma_start3A_133 = arith.constant 0 : i32
      %dma_start3A_134 = arith.constant 0 : i32
      %dma_start3A_135 = tpu.memref_slice %arg17[%dma_start3A_133, %dma_start3A_134] : memref<32x128xf32, #tpu.memory_space<vmem_shared>> -> memref<32x128xf32, #tpu.memory_space<vmem_shared>>
      tpu.enqueue_indirect_dma source(%dma_start3A_135 : memref<32x128xf32, #tpu.memory_space<vmem_shared>>) target(%arg11 : memref<128x128xf32, #tpu.memory_space<vmem>>) offsets(%dma_start3A_132 : memref<128xi32, #tpu.memory_space<vmem>>) semaphore(%arg18 : memref<!tpu.dma_semaphore, #tpu.memory_space<semaphore_mem>>)
      %gt3A_136 = arith.constant 0 : i32
      %gt3A_137 = arith.cmpi sgt, %scan3A_106, %gt3A_136 : i32
      %convert_element_type3A_138 = arith.extui %gt3A_137 : i1 to i32
      %cond3A_139 = arith.constant 0 : i32
      %cond3A_140 = arith.cmpi ne, %convert_element_type3A_138, %cond3A_139 : i32
      scf.if %cond3A_140 {
        %dma_wait3A_298 = arith.constant 0 : i32
        %dma_wait3A_299 = tpu.memref_slice %arg7[%mul3A_2, %dma_wait3A_298] : memref<320000x128xf32, #tpu.memory_space<hbm>> -> memref<128x128xf32, #tpu.memory_space<hbm>>
        %dma_wait3A_300 = arith.constant 0 : i32
        %dma_wait3A_301 = tpu.memref_slice %arg7[%mul3A_2, %dma_wait3A_300] : memref<320000x128xf32, #tpu.memory_space<hbm>> -> memref<128x128xf32, #tpu.memory_space<hbm>>
        tpu.wait_dma2 semaphore(%arg19 : memref<!tpu.dma_semaphore, #tpu.memory_space<semaphore_mem>>) src(%arg12 : memref<128x128xf32, #tpu.memory_space<vmem>>) dst(%dma_wait3A_301 : memref<128x128xf32, #tpu.memory_space<hbm>>)
      } else {
      }
      %mul3A_141 = arith.constant 6 : i32
      %mul3A_142 = arith.muli %scan3A_106, %mul3A_141 : i32
      %add3A_143 = arith.constant 2 : i32
      %add3A_144 = arith.addi %mul3A_142, %add3A_143 : i32
      %mul3A_145 = arith.constant 128 : i32
      %mul3A_146 = arith.muli %add3A_144, %mul3A_145 : i32
      %dma_start3A_147 = tpu.memref_slice %arg9[%mul3A_146] : memref<10000xi32, #tpu.memory_space<vmem>> -> memref<128xi32, #tpu.memory_space<vmem>>
      %dma_start3A_148 = arith.constant 0 : i32
      %dma_start3A_149 = arith.constant 0 : i32
      %dma_start3A_150 = tpu.memref_slice %arg17[%dma_start3A_148, %dma_start3A_149] : memref<32x128xf32, #tpu.memory_space<vmem_shared>> -> memref<32x128xf32, #tpu.memory_space<vmem_shared>>
      tpu.enqueue_indirect_dma source(%dma_start3A_150 : memref<32x128xf32, #tpu.memory_space<vmem_shared>>) target(%arg12 : memref<128x128xf32, #tpu.memory_space<vmem>>) offsets(%dma_start3A_147 : memref<128xi32, #tpu.memory_space<vmem>>) semaphore(%arg18 : memref<!tpu.dma_semaphore, #tpu.memory_space<semaphore_mem>>)
      %gt3A_151 = arith.constant 0 : i32
      %gt3A_152 = arith.cmpi sgt, %scan3A_106, %gt3A_151 : i32
      %convert_element_type3A_153 = arith.extui %gt3A_152 : i1 to i32
      %cond3A_154 = arith.constant 0 : i32
      %cond3A_155 = arith.cmpi ne, %convert_element_type3A_153, %cond3A_154 : i32
      scf.if %cond3A_155 {
        %dma_wait3A_298 = arith.constant 0 : i32
        %dma_wait3A_299 = tpu.memref_slice %arg7[%mul3A_2, %dma_wait3A_298] : memref<320000x128xf32, #tpu.memory_space<hbm>> -> memref<128x128xf32, #tpu.memory_space<hbm>>
        %dma_wait3A_300 = arith.constant 0 : i32
        %dma_wait3A_301 = tpu.memref_slice %arg7[%mul3A_2, %dma_wait3A_300] : memref<320000x128xf32, #tpu.memory_space<hbm>> -> memref<128x128xf32, #tpu.memory_space<hbm>>
        tpu.wait_dma2 semaphore(%arg19 : memref<!tpu.dma_semaphore, #tpu.memory_space<semaphore_mem>>) src(%arg13 : memref<128x128xf32, #tpu.memory_space<vmem>>) dst(%dma_wait3A_301 : memref<128x128xf32, #tpu.memory_space<hbm>>)
      } else {
      }
      %mul3A_156 = arith.constant 6 : i32
      %mul3A_157 = arith.muli %scan3A_106, %mul3A_156 : i32
      %add3A_158 = arith.constant 3 : i32
      %add3A_159 = arith.addi %mul3A_157, %add3A_158 : i32
      %mul3A_160 = arith.constant 128 : i32
      %mul3A_161 = arith.muli %add3A_159, %mul3A_160 : i32
      %dma_start3A_162 = tpu.memref_slice %arg9[%mul3A_161] : memref<10000xi32, #tpu.memory_space<vmem>> -> memref<128xi32, #tpu.memory_space<vmem>>
      %dma_start3A_163 = arith.constant 0 : i32
      %dma_start3A_164 = arith.constant 0 : i32
      %dma_start3A_165 = tpu.memref_slice %arg17[%dma_start3A_163, %dma_start3A_164] : memref<32x128xf32, #tpu.memory_space<vmem_shared>> -> memref<32x128xf32, #tpu.memory_space<vmem_shared>>
      tpu.enqueue_indirect_dma source(%dma_start3A_165 : memref<32x128xf32, #tpu.memory_space<vmem_shared>>) target(%arg13 : memref<128x128xf32, #tpu.memory_space<vmem>>) offsets(%dma_start3A_162 : memref<128xi32, #tpu.memory_space<vmem>>) semaphore(%arg18 : memref<!tpu.dma_semaphore, #tpu.memory_space<semaphore_mem>>)
      %gt3A_166 = arith.constant 0 : i32
      %gt3A_167 = arith.cmpi sgt, %scan3A_106, %gt3A_166 : i32
      %convert_element_type3A_168 = arith.extui %gt3A_167 : i1 to i32
      %cond3A_169 = arith.constant 0 : i32
      %cond3A_170 = arith.cmpi ne, %convert_element_type3A_168, %cond3A_169 : i32
      scf.if %cond3A_170 {
        %dma_wait3A_298 = arith.constant 0 : i32
        %dma_wait3A_299 = tpu.memref_slice %arg7[%mul3A_2, %dma_wait3A_298] : memref<320000x128xf32, #tpu.memory_space<hbm>> -> memref<128x128xf32, #tpu.memory_space<hbm>>
        %dma_wait3A_300 = arith.constant 0 : i32
        %dma_wait3A_301 = tpu.memref_slice %arg7[%mul3A_2, %dma_wait3A_300] : memref<320000x128xf32, #tpu.memory_space<hbm>> -> memref<128x128xf32, #tpu.memory_space<hbm>>
        tpu.wait_dma2 semaphore(%arg19 : memref<!tpu.dma_semaphore, #tpu.memory_space<semaphore_mem>>) src(%arg14 : memref<128x128xf32, #tpu.memory_space<vmem>>) dst(%dma_wait3A_301 : memref<128x128xf32, #tpu.memory_space<hbm>>)
      } else {
      }
      %mul3A_171 = arith.constant 6 : i32
      %mul3A_172 = arith.muli %scan3A_106, %mul3A_171 : i32
      %add3A_173 = arith.constant 4 : i32
      %add3A_174 = arith.addi %mul3A_172, %add3A_173 : i32
      %mul3A_175 = arith.constant 128 : i32
      %mul3A_176 = arith.muli %add3A_174, %mul3A_175 : i32
      %dma_start3A_177 = tpu.memref_slice %arg9[%mul3A_176] : memref<10000xi32, #tpu.memory_space<vmem>> -> memref<128xi32, #tpu.memory_space<vmem>>
      %dma_start3A_178 = arith.constant 0 : i32
      %dma_start3A_179 = arith.constant 0 : i32
      %dma_start3A_180 = tpu.memref_slice %arg17[%dma_start3A_178, %dma_start3A_179] : memref<32x128xf32, #tpu.memory_space<vmem_shared>> -> memref<32x128xf32, #tpu.memory_space<vmem_shared>>
      tpu.enqueue_indirect_dma source(%dma_start3A_180 : memref<32x128xf32, #tpu.memory_space<vmem_shared>>) target(%arg14 : memref<128x128xf32, #tpu.memory_space<vmem>>) offsets(%dma_start3A_177 : memref<128xi32, #tpu.memory_space<vmem>>) semaphore(%arg18 : memref<!tpu.dma_semaphore, #tpu.memory_space<semaphore_mem>>)
      %gt3A_181 = arith.constant 0 : i32
      %gt3A_182 = arith.cmpi sgt, %scan3A_106, %gt3A_181 : i32
      %convert_element_type3A_183 = arith.extui %gt3A_182 : i1 to i32
      %cond3A_184 = arith.constant 0 : i32
      %cond3A_185 = arith.cmpi ne, %convert_element_type3A_183, %cond3A_184 : i32
      scf.if %cond3A_185 {
        %dma_wait3A_298 = arith.constant 0 : i32
        %dma_wait3A_299 = tpu.memref_slice %arg7[%mul3A_2, %dma_wait3A_298] : memref<320000x128xf32, #tpu.memory_space<hbm>> -> memref<128x128xf32, #tpu.memory_space<hbm>>
        %dma_wait3A_300 = arith.constant 0 : i32
        %dma_wait3A_301 = tpu.memref_slice %arg7[%mul3A_2, %dma_wait3A_300] : memref<320000x128xf32, #tpu.memory_space<hbm>> -> memref<128x128xf32, #tpu.memory_space<hbm>>
        tpu.wait_dma2 semaphore(%arg19 : memref<!tpu.dma_semaphore, #tpu.memory_space<semaphore_mem>>) src(%arg15 : memref<128x128xf32, #tpu.memory_space<vmem>>) dst(%dma_wait3A_301 : memref<128x128xf32, #tpu.memory_space<hbm>>)
      } else {
      }
      %mul3A_186 = arith.constant 6 : i32
      %mul3A_187 = arith.muli %scan3A_106, %mul3A_186 : i32
      %add3A_188 = arith.constant 5 : i32
      %add3A_189 = arith.addi %mul3A_187, %add3A_188 : i32
      %mul3A_190 = arith.constant 128 : i32
      %mul3A_191 = arith.muli %add3A_189, %mul3A_190 : i32
      %dma_start3A_192 = tpu.memref_slice %arg9[%mul3A_191] : memref<10000xi32, #tpu.memory_space<vmem>> -> memref<128xi32, #tpu.memory_space<vmem>>
      %dma_start3A_193 = arith.constant 0 : i32
      %dma_start3A_194 = arith.constant 0 : i32
      %dma_start3A_195 = tpu.memref_slice %arg17[%dma_start3A_193, %dma_start3A_194] : memref<32x128xf32, #tpu.memory_space<vmem_shared>> -> memref<32x128xf32, #tpu.memory_space<vmem_shared>>
      tpu.enqueue_indirect_dma source(%dma_start3A_195 : memref<32x128xf32, #tpu.memory_space<vmem_shared>>) target(%arg15 : memref<128x128xf32, #tpu.memory_space<vmem>>) offsets(%dma_start3A_192 : memref<128xi32, #tpu.memory_space<vmem>>) semaphore(%arg18 : memref<!tpu.dma_semaphore, #tpu.memory_space<semaphore_mem>>)
      %mul3A_196 = arith.constant 6 : i32
      %mul3A_197 = arith.muli %scan3A_106, %mul3A_196 : i32
      %add3A_198 = arith.constant 0 : i32
      %add3A_199 = arith.addi %mul3A_197, %add3A_198 : i32
      %mul3A_200 = arith.constant 128 : i32
      %mul3A_201 = arith.muli %add3A_199, %mul3A_200 : i32
      %dma_wait3A_202 = tpu.memref_slice %arg9[%mul3A_201] : memref<10000xi32, #tpu.memory_space<vmem>> -> memref<128xi32, #tpu.memory_space<vmem>>
      %dma_wait3A_203 = arith.constant 0 : i32
      %dma_wait3A_204 = arith.constant 0 : i32
      %dma_wait3A_205 = tpu.memref_slice %arg17[%dma_wait3A_203, %dma_wait3A_204] : memref<32x128xf32, #tpu.memory_space<vmem_shared>> -> memref<32x128xf32, #tpu.memory_space<vmem_shared>>
      tpu.wait_indirect_dma semaphore(%arg18 : memref<!tpu.dma_semaphore, #tpu.memory_space<semaphore_mem>>) src(%dma_wait3A_205 : memref<32x128xf32, #tpu.memory_space<vmem_shared>>) dst(%arg10 : memref<128x128xf32, #tpu.memory_space<vmem>>)
      %mul3A_206 = arith.constant 128 : i32
      %mul3A_207 = arith.muli %add3A_199, %mul3A_206 : i32
      %add3A_208 = arith.addi %mul3A_2, %mul3A_207 : i32
      %dma_start3A_209 = arith.constant 0 : i32
      %dma_start3A_210 = tpu.memref_slice %arg7[%add3A_208, %dma_start3A_209] : memref<320000x128xf32, #tpu.memory_space<hbm>> -> memref<128x128xf32, #tpu.memory_space<hbm>>
      %dma_start3A_211 = arith.constant 0 : i32
      %dma_start3A_212 = tpu.memref_slice %arg7[%add3A_208, %dma_start3A_211] : memref<320000x128xf32, #tpu.memory_space<hbm>> -> memref<128x128xf32, #tpu.memory_space<hbm>>
      tpu.enqueue_dma source(%arg10 : memref<128x128xf32, #tpu.memory_space<vmem>>) target(%dma_start3A_212 : memref<128x128xf32, #tpu.memory_space<hbm>>) target_semaphore(%arg19 : memref<!tpu.dma_semaphore, #tpu.memory_space<semaphore_mem>>)
      %mul3A_213 = arith.constant 6 : i32
      %mul3A_214 = arith.muli %scan3A_106, %mul3A_213 : i32
      %add3A_215 = arith.constant 1 : i32
      %add3A_216 = arith.addi %mul3A_214, %add3A_215 : i32
      %mul3A_217 = arith.constant 128 : i32
      %mul3A_218 = arith.muli %add3A_216, %mul3A_217 : i32
      %dma_wait3A_219 = tpu.memref_slice %arg9[%mul3A_218] : memref<10000xi32, #tpu.memory_space<vmem>> -> memref<128xi32, #tpu.memory_space<vmem>>
      %dma_wait3A_220 = arith.constant 0 : i32
      %dma_wait3A_221 = arith.constant 0 : i32
      %dma_wait3A_222 = tpu.memref_slice %arg17[%dma_wait3A_220, %dma_wait3A_221] : memref<32x128xf32, #tpu.memory_space<vmem_shared>> -> memref<32x128xf32, #tpu.memory_space<vmem_shared>>
      tpu.wait_indirect_dma semaphore(%arg18 : memref<!tpu.dma_semaphore, #tpu.memory_space<semaphore_mem>>) src(%dma_wait3A_222 : memref<32x128xf32, #tpu.memory_space<vmem_shared>>) dst(%arg11 : memref<128x128xf32, #tpu.memory_space<vmem>>)
      %mul3A_223 = arith.constant 128 : i32
      %mul3A_224 = arith.muli %add3A_216, %mul3A_223 : i32
      %add3A_225 = arith.addi %mul3A_2, %mul3A_224 : i32
      %dma_start3A_226 = arith.constant 0 : i32
      %dma_start3A_227 = tpu.memref_slice %arg7[%add3A_225, %dma_start3A_226] : memref<320000x128xf32, #tpu.memory_space<hbm>> -> memref<128x128xf32, #tpu.memory_space<hbm>>
      %dma_start3A_228 = arith.constant 0 : i32
      %dma_start3A_229 = tpu.memref_slice %arg7[%add3A_225, %dma_start3A_228] : memref<320000x128xf32, #tpu.memory_space<hbm>> -> memref<128x128xf32, #tpu.memory_space<hbm>>
      tpu.enqueue_dma source(%arg11 : memref<128x128xf32, #tpu.memory_space<vmem>>) target(%dma_start3A_229 : memref<128x128xf32, #tpu.memory_space<hbm>>) target_semaphore(%arg19 : memref<!tpu.dma_semaphore, #tpu.memory_space<semaphore_mem>>)
      %mul3A_230 = arith.constant 6 : i32
      %mul3A_231 = arith.muli %scan3A_106, %mul3A_230 : i32
      %add3A_232 = arith.constant 2 : i32
      %add3A_233 = arith.addi %mul3A_231, %add3A_232 : i32
      %mul3A_234 = arith.constant 128 : i32
      %mul3A_235 = arith.muli %add3A_233, %mul3A_234 : i32
      %dma_wait3A_236 = tpu.memref_slice %arg9[%mul3A_235] : memref<10000xi32, #tpu.memory_space<vmem>> -> memref<128xi32, #tpu.memory_space<vmem>>
      %dma_wait3A_237 = arith.constant 0 : i32
      %dma_wait3A_238 = arith.constant 0 : i32
      %dma_wait3A_239 = tpu.memref_slice %arg17[%dma_wait3A_237, %dma_wait3A_238] : memref<32x128xf32, #tpu.memory_space<vmem_shared>> -> memref<32x128xf32, #tpu.memory_space<vmem_shared>>
      tpu.wait_indirect_dma semaphore(%arg18 : memref<!tpu.dma_semaphore, #tpu.memory_space<semaphore_mem>>) src(%dma_wait3A_239 : memref<32x128xf32, #tpu.memory_space<vmem_shared>>) dst(%arg12 : memref<128x128xf32, #tpu.memory_space<vmem>>)
      %mul3A_240 = arith.constant 128 : i32
      %mul3A_241 = arith.muli %add3A_233, %mul3A_240 : i32
      %add3A_242 = arith.addi %mul3A_2, %mul3A_241 : i32
      %dma_start3A_243 = arith.constant 0 : i32
      %dma_start3A_244 = tpu.memref_slice %arg7[%add3A_242, %dma_start3A_243] : memref<320000x128xf32, #tpu.memory_space<hbm>> -> memref<128x128xf32, #tpu.memory_space<hbm>>
      %dma_start3A_245 = arith.constant 0 : i32
      %dma_start3A_246 = tpu.memref_slice %arg7[%add3A_242, %dma_start3A_245] : memref<320000x128xf32, #tpu.memory_space<hbm>> -> memref<128x128xf32, #tpu.memory_space<hbm>>
      tpu.enqueue_dma source(%arg12 : memref<128x128xf32, #tpu.memory_space<vmem>>) target(%dma_start3A_246 : memref<128x128xf32, #tpu.memory_space<hbm>>) target_semaphore(%arg19 : memref<!tpu.dma_semaphore, #tpu.memory_space<semaphore_mem>>)
      %mul3A_247 = arith.constant 6 : i32
      %mul3A_248 = arith.muli %scan3A_106, %mul3A_247 : i32
      %add3A_249 = arith.constant 3 : i32
      %add3A_250 = arith.addi %mul3A_248, %add3A_249 : i32
      %mul3A_251 = arith.constant 128 : i32
      %mul3A_252 = arith.muli %add3A_250, %mul3A_251 : i32
      %dma_wait3A_253 = tpu.memref_slice %arg9[%mul3A_252] : memref<10000xi32, #tpu.memory_space<vmem>> -> memref<128xi32, #tpu.memory_space<vmem>>
      %dma_wait3A_254 = arith.constant 0 : i32
      %dma_wait3A_255 = arith.constant 0 : i32
      %dma_wait3A_256 = tpu.memref_slice %arg17[%dma_wait3A_254, %dma_wait3A_255] : memref<32x128xf32, #tpu.memory_space<vmem_shared>> -> memref<32x128xf32, #tpu.memory_space<vmem_shared>>
      tpu.wait_indirect_dma semaphore(%arg18 : memref<!tpu.dma_semaphore, #tpu.memory_space<semaphore_mem>>) src(%dma_wait3A_256 : memref<32x128xf32, #tpu.memory_space<vmem_shared>>) dst(%arg13 : memref<128x128xf32, #tpu.memory_space<vmem>>)
      %mul3A_257 = arith.constant 128 : i32
      %mul3A_258 = arith.muli %add3A_250, %mul3A_257 : i32
      %add3A_259 = arith.addi %mul3A_2, %mul3A_258 : i32
      %dma_start3A_260 = arith.constant 0 : i32
      %dma_start3A_261 = tpu.memref_slice %arg7[%add3A_259, %dma_start3A_260] : memref<320000x128xf32, #tpu.memory_space<hbm>> -> memref<128x128xf32, #tpu.memory_space<hbm>>
      %dma_start3A_262 = arith.constant 0 : i32
      %dma_start3A_263 = tpu.memref_slice %arg7[%add3A_259, %dma_start3A_262] : memref<320000x128xf32, #tpu.memory_space<hbm>> -> memref<128x128xf32, #tpu.memory_space<hbm>>
      tpu.enqueue_dma source(%arg13 : memref<128x128xf32, #tpu.memory_space<vmem>>) target(%dma_start3A_263 : memref<128x128xf32, #tpu.memory_space<hbm>>) target_semaphore(%arg19 : memref<!tpu.dma_semaphore, #tpu.memory_space<semaphore_mem>>)
      %mul3A_264 = arith.constant 6 : i32
      %mul3A_265 = arith.muli %scan3A_106, %mul3A_264 : i32
      %add3A_266 = arith.constant 4 : i32
      %add3A_267 = arith.addi %mul3A_265, %add3A_266 : i32
      %mul3A_268 = arith.constant 128 : i32
      %mul3A_269 = arith.muli %add3A_267, %mul3A_268 : i32
      %dma_wait3A_270 = tpu.memref_slice %arg9[%mul3A_269] : memref<10000xi32, #tpu.memory_space<vmem>> -> memref<128xi32, #tpu.memory_space<vmem>>
      %dma_wait3A_271 = arith.constant 0 : i32
      %dma_wait3A_272 = arith.constant 0 : i32
      %dma_wait3A_273 = tpu.memref_slice %arg17[%dma_wait3A_271, %dma_wait3A_272] : memref<32x128xf32, #tpu.memory_space<vmem_shared>> -> memref<32x128xf32, #tpu.memory_space<vmem_shared>>
      tpu.wait_indirect_dma semaphore(%arg18 : memref<!tpu.dma_semaphore, #tpu.memory_space<semaphore_mem>>) src(%dma_wait3A_273 : memref<32x128xf32, #tpu.memory_space<vmem_shared>>) dst(%arg14 : memref<128x128xf32, #tpu.memory_space<vmem>>)
      %mul3A_274 = arith.constant 128 : i32
      %mul3A_275 = arith.muli %add3A_267, %mul3A_274 : i32
      %add3A_276 = arith.addi %mul3A_2, %mul3A_275 : i32
      %dma_start3A_277 = arith.constant 0 : i32
      %dma_start3A_278 = tpu.memref_slice %arg7[%add3A_276, %dma_start3A_277] : memref<320000x128xf32, #tpu.memory_space<hbm>> -> memref<128x128xf32, #tpu.memory_space<hbm>>
      %dma_start3A_279 = arith.constant 0 : i32
      %dma_start3A_280 = tpu.memref_slice %arg7[%add3A_276, %dma_start3A_279] : memref<320000x128xf32, #tpu.memory_space<hbm>> -> memref<128x128xf32, #tpu.memory_space<hbm>>
      tpu.enqueue_dma source(%arg14 : memref<128x128xf32, #tpu.memory_space<vmem>>) target(%dma_start3A_280 : memref<128x128xf32, #tpu.memory_space<hbm>>) target_semaphore(%arg19 : memref<!tpu.dma_semaphore, #tpu.memory_space<semaphore_mem>>)
      %mul3A_281 = arith.constant 6 : i32
      %mul3A_282 = arith.muli %scan3A_106, %mul3A_281 : i32
      %add3A_283 = arith.constant 5 : i32
      %add3A_284 = arith.addi %mul3A_282, %add3A_283 : i32
      %mul3A_285 = arith.constant 128 : i32
      %mul3A_286 = arith.muli %add3A_284, %mul3A_285 : i32
      %dma_wait3A_287 = tpu.memref_slice %arg9[%mul3A_286] : memref<10000xi32, #tpu.memory_space<vmem>> -> memref<128xi32, #tpu.memory_space<vmem>>
      %dma_wait3A_288 = arith.constant 0 : i32
      %dma_wait3A_289 = arith.constant 0 : i32
      %dma_wait3A_290 = tpu.memref_slice %arg17[%dma_wait3A_288, %dma_wait3A_289] : memref<32x128xf32, #tpu.memory_space<vmem_shared>> -> memref<32x128xf32, #tpu.memory_space<vmem_shared>>
      tpu.wait_indirect_dma semaphore(%arg18 : memref<!tpu.dma_semaphore, #tpu.memory_space<semaphore_mem>>) src(%dma_wait3A_290 : memref<32x128xf32, #tpu.memory_space<vmem_shared>>) dst(%arg15 : memref<128x128xf32, #tpu.memory_space<vmem>>)
      %mul3A_291 = arith.constant 128 : i32
      %mul3A_292 = arith.muli %add3A_284, %mul3A_291 : i32
      %add3A_293 = arith.addi %mul3A_2, %mul3A_292 : i32
      %dma_start3A_294 = arith.constant 0 : i32
      %dma_start3A_295 = tpu.memref_slice %arg7[%add3A_293, %dma_start3A_294] : memref<320000x128xf32, #tpu.memory_space<hbm>> -> memref<128x128xf32, #tpu.memory_space<hbm>>
      %dma_start3A_296 = arith.constant 0 : i32
      %dma_start3A_297 = tpu.memref_slice %arg7[%add3A_293, %dma_start3A_296] : memref<320000x128xf32, #tpu.memory_space<hbm>> -> memref<128x128xf32, #tpu.memory_space<hbm>>
      tpu.enqueue_dma source(%arg15 : memref<128x128xf32, #tpu.memory_space<vmem>>) target(%dma_start3A_297 : memref<128x128xf32, #tpu.memory_space<hbm>>) target_semaphore(%arg19 : memref<!tpu.dma_semaphore, #tpu.memory_space<semaphore_mem>>)
    }
    %scan3A_63 = arith.constant 13 : i32
    %dma_wait3A_64 = arith.constant 0 : i32
    %dma_wait3A_65 = tpu.memref_slice %arg7[%mul3A_2, %dma_wait3A_64] : memref<320000x128xf32, #tpu.memory_space<hbm>> -> memref<128x128xf32, #tpu.memory_space<hbm>>
    %dma_wait3A_66 = arith.constant 0 : i32
    %dma_wait3A_67 = tpu.memref_slice %arg7[%mul3A_2, %dma_wait3A_66] : memref<320000x128xf32, #tpu.memory_space<hbm>> -> memref<128x128xf32, #tpu.memory_space<hbm>>
    tpu.wait_dma2 semaphore(%arg19 : memref<!tpu.dma_semaphore, #tpu.memory_space<semaphore_mem>>) src(%arg10 : memref<128x128xf32, #tpu.memory_space<vmem>>) dst(%dma_wait3A_67 : memref<128x128xf32, #tpu.memory_space<hbm>>)
    %dma_wait3A_68 = arith.constant 0 : i32
    %dma_wait3A_69 = tpu.memref_slice %arg7[%mul3A_2, %dma_wait3A_68] : memref<320000x128xf32, #tpu.memory_space<hbm>> -> memref<128x128xf32, #tpu.memory_space<hbm>>
    %dma_wait3A_70 = arith.constant 0 : i32
    %dma_wait3A_71 = tpu.memref_slice %arg7[%mul3A_2, %dma_wait3A_70] : memref<320000x128xf32, #tpu.memory_space<hbm>> -> memref<128x128xf32, #tpu.memory_space<hbm>>
    tpu.wait_dma2 semaphore(%arg19 : memref<!tpu.dma_semaphore, #tpu.memory_space<semaphore_mem>>) src(%arg11 : memref<128x128xf32, #tpu.memory_space<vmem>>) dst(%dma_wait3A_71 : memref<128x128xf32, #tpu.memory_space<hbm>>)
    %dma_wait3A_72 = arith.constant 0 : i32
    %dma_wait3A_73 = tpu.memref_slice %arg7[%mul3A_2, %dma_wait3A_72] : memref<320000x128xf32, #tpu.memory_space<hbm>> -> memref<128x128xf32, #tpu.memory_space<hbm>>
    %dma_wait3A_74 = arith.constant 0 : i32
    %dma_wait3A_75 = tpu.memref_slice %arg7[%mul3A_2, %dma_wait3A_74] : memref<320000x128xf32, #tpu.memory_space<hbm>> -> memref<128x128xf32, #tpu.memory_space<hbm>>
    tpu.wait_dma2 semaphore(%arg19 : memref<!tpu.dma_semaphore, #tpu.memory_space<semaphore_mem>>) src(%arg12 : memref<128x128xf32, #tpu.memory_space<vmem>>) dst(%dma_wait3A_75 : memref<128x128xf32, #tpu.memory_space<hbm>>)
    %dma_wait3A_76 = arith.constant 0 : i32
    %dma_wait3A_77 = tpu.memref_slice %arg7[%mul3A_2, %dma_wait3A_76] : memref<320000x128xf32, #tpu.memory_space<hbm>> -> memref<128x128xf32, #tpu.memory_space<hbm>>
    %dma_wait3A_78 = arith.constant 0 : i32
    %dma_wait3A_79 = tpu.memref_slice %arg7[%mul3A_2, %dma_wait3A_78] : memref<320000x128xf32, #tpu.memory_space<hbm>> -> memref<128x128xf32, #tpu.memory_space<hbm>>
    tpu.wait_dma2 semaphore(%arg19 : memref<!tpu.dma_semaphore, #tpu.memory_space<semaphore_mem>>) src(%arg13 : memref<128x128xf32, #tpu.memory_space<vmem>>) dst(%dma_wait3A_79 : memref<128x128xf32, #tpu.memory_space<hbm>>)
    %dma_wait3A_80 = arith.constant 0 : i32
    %dma_wait3A_81 = tpu.memref_slice %arg7[%mul3A_2, %dma_wait3A_80] : memref<320000x128xf32, #tpu.memory_space<hbm>> -> memref<128x128xf32, #tpu.memory_space<hbm>>
    %dma_wait3A_82 = arith.constant 0 : i32
    %dma_wait3A_83 = tpu.memref_slice %arg7[%mul3A_2, %dma_wait3A_82] : memref<320000x128xf32, #tpu.memory_space<hbm>> -> memref<128x128xf32, #tpu.memory_space<hbm>>
    tpu.wait_dma2 semaphore(%arg19 : memref<!tpu.dma_semaphore, #tpu.memory_space<semaphore_mem>>) src(%arg14 : memref<128x128xf32, #tpu.memory_space<vmem>>) dst(%dma_wait3A_83 : memref<128x128xf32, #tpu.memory_space<hbm>>)
    %dma_wait3A_84 = arith.constant 0 : i32
    %dma_wait3A_85 = tpu.memref_slice %arg7[%mul3A_2, %dma_wait3A_84] : memref<320000x128xf32, #tpu.memory_space<hbm>> -> memref<128x128xf32, #tpu.memory_space<hbm>>
    %dma_wait3A_86 = arith.constant 0 : i32
    %dma_wait3A_87 = tpu.memref_slice %arg7[%mul3A_2, %dma_wait3A_86] : memref<320000x128xf32, #tpu.memory_space<hbm>> -> memref<128x128xf32, #tpu.memory_space<hbm>>
    tpu.wait_dma2 semaphore(%arg19 : memref<!tpu.dma_semaphore, #tpu.memory_space<semaphore_mem>>) src(%arg15 : memref<128x128xf32, #tpu.memory_space<vmem>>) dst(%dma_wait3A_87 : memref<128x128xf32, #tpu.memory_space<hbm>>)
    %add3A_88 = arith.constant 9984 : i32
    %add3A_89 = arith.addi %mul3A_2, %add3A_88 : i32
    %dma_start3A_90 = arith.constant 0 : i32
    %dma_start3A_91 = arith.constant 0 : i32
    %dma_start3A_92 = tpu.memref_slice %arg10[%dma_start3A_90, %dma_start3A_91] : memref<128x128xf32, #tpu.memory_space<vmem>> -> memref<16x128xf32, #tpu.memory_space<vmem>>
    %dma_start3A_93 = arith.constant 9984 : i32
    %dma_start3A_94 = tpu.memref_slice %arg9[%dma_start3A_93] : memref<10000xi32, #tpu.memory_space<vmem>> -> memref<16xi32, #tpu.memory_space<vmem>>
    %dma_start3A_95 = arith.constant 0 : i32
    %dma_start3A_96 = arith.constant 0 : i32
    %dma_start3A_97 = tpu.memref_slice %arg17[%dma_start3A_95, %dma_start3A_96] : memref<32x128xf32, #tpu.memory_space<vmem_shared>> -> memref<32x128xf32, #tpu.memory_space<vmem_shared>>
    tpu.enqueue_indirect_dma source(%dma_start3A_97 : memref<32x128xf32, #tpu.memory_space<vmem_shared>>) target(%dma_start3A_92 : memref<16x128xf32, #tpu.memory_space<vmem>>) offsets(%dma_start3A_94 : memref<16xi32, #tpu.memory_space<vmem>>) semaphore(%arg18 : memref<!tpu.dma_semaphore, #tpu.memory_space<semaphore_mem>>)
    %dma_wait3A_98 = arith.constant 0 : i32
    %dma_wait3A_99 = arith.constant 0 : i32
    %dma_wait3A_100 = tpu.memref_slice %arg10[%dma_wait3A_98, %dma_wait3A_99] : memref<128x128xf32, #tpu.memory_space<vmem>> -> memref<16x128xf32, #tpu.memory_space<vmem>>
    %dma_wait3A_101 = arith.constant 9984 : i32
    %dma_wait3A_102 = tpu.memref_slice %arg9[%dma_wait3A_101] : memref<10000xi32, #tpu.memory_space<vmem>> -> memref<16xi32, #tpu.memory_space<vmem>>
    %dma_wait3A_103 = arith.constant 0 : i32
    %dma_wait3A_104 = arith.constant 0 : i32
    %dma_wait3A_105 = tpu.memref_slice %arg17[%dma_wait3A_103, %dma_wait3A_104] : memref<32x128xf32, #tpu.memory_space<vmem_shared>> -> memref<32x128xf32, #tpu.memory_space<vmem_shared>>
    tpu.wait_indirect_dma semaphore(%arg18 : memref<!tpu.dma_semaphore, #tpu.memory_space<semaphore_mem>>) src(%dma_wait3A_105 : memref<32x128xf32, #tpu.memory_space<vmem_shared>>) dst(%dma_wait3A_100 : memref<16x128xf32, #tpu.memory_space<vmem>>)
    "tpu.region"() ({
      %run_scoped3A = tpu.sem_alloc : memref<!tpu.dma_semaphore, #tpu.memory_space<semaphore_mem>>
      %dma_start3A_106 = arith.constant 0 : i32
      %dma_start3A_107 = arith.constant 0 : i32
      %dma_start3A_108 = tpu.memref_slice %arg10[%dma_start3A_106, %dma_start3A_107] : memref<128x128xf32, #tpu.memory_space<vmem>> -> memref<16x128xf32, #tpu.memory_space<vmem>>
      %dma_start3A_109 = arith.constant 0 : i32
      %dma_start3A_110 = tpu.memref_slice %arg7[%add3A_89, %dma_start3A_109] : memref<320000x128xf32, #tpu.memory_space<hbm>> -> memref<16x128xf32, #tpu.memory_space<hbm>>
      %dma_start3A_111 = arith.constant 0 : i32
      %dma_start3A_112 = tpu.memref_slice %arg7[%add3A_89, %dma_start3A_111] : memref<320000x128xf32, #tpu.memory_space<hbm>> -> memref<16x128xf32, #tpu.memory_space<hbm>>
      %dma_start3A_113 = arith.constant 0 : i32
      %dma_start3A_114 = arith.constant 0 : i32
      %dma_start3A_115 = tpu.memref_slice %arg10[%dma_start3A_113, %dma_start3A_114] : memref<128x128xf32, #tpu.memory_space<vmem>> -> memref<16x128xf32, #tpu.memory_space<vmem>>
      tpu.enqueue_dma source(%dma_start3A_115 : memref<16x128xf32, #tpu.memory_space<vmem>>) target(%dma_start3A_112 : memref<16x128xf32, #tpu.memory_space<hbm>>) target_semaphore(%run_scoped3A : memref<!tpu.dma_semaphore, #tpu.memory_space<semaphore_mem>>)
      %dma_wait3A_116 = arith.constant 0 : i32
      %dma_wait3A_117 = arith.constant 0 : i32
      %dma_wait3A_118 = tpu.memref_slice %arg10[%dma_wait3A_116, %dma_wait3A_117] : memref<128x128xf32, #tpu.memory_space<vmem>> -> memref<16x128xf32, #tpu.memory_space<vmem>>
      %dma_wait3A_119 = arith.constant 0 : i32
      %dma_wait3A_120 = tpu.memref_slice %arg7[%add3A_89, %dma_wait3A_119] : memref<320000x128xf32, #tpu.memory_space<hbm>> -> memref<16x128xf32, #tpu.memory_space<hbm>>
      %dma_wait3A_121 = arith.constant 0 : i32
      %dma_wait3A_122 = tpu.memref_slice %arg7[%add3A_89, %dma_wait3A_121] : memref<320000x128xf32, #tpu.memory_space<hbm>> -> memref<16x128xf32, #tpu.memory_space<hbm>>
      %dma_wait3A_123 = arith.constant 0 : i32
      %dma_wait3A_124 = arith.constant 0 : i32
      %dma_wait3A_125 = tpu.memref_slice %arg10[%dma_wait3A_123, %dma_wait3A_124] : memref<128x128xf32, #tpu.memory_space<vmem>> -> memref<16x128xf32, #tpu.memory_space<vmem>>
      tpu.wait_dma2 semaphore(%run_scoped3A : memref<!tpu.dma_semaphore, #tpu.memory_space<semaphore_mem>>) src(%dma_wait3A_125 : memref<16x128xf32, #tpu.memory_space<vmem>>) dst(%dma_wait3A_122 : memref<16x128xf32, #tpu.memory_space<hbm>>)
      tpu.yield
    }) : () -> ()
    return
  }
}

module attributes {stable_mosaic.version = 14 : i64} {
  func.func @_tables_body(%arg0: i32, %arg1: memref<64x128xf32, #tpu.memory_space<vmem>>, %arg2: memref<625x512xi32, #tpu.memory_space<vmem>>, %arg3: memref<625x512xi32, #tpu.memory_space<vmem>>, %arg4: memref<625x512xi32, #tpu.memory_space<vmem>>, %arg5: memref<1x1024x128xf32, #tpu.memory_space<vmem>>, %arg6: memref<625x512xi32, #tpu.memory_space<vmem>>) attributes {dimension_semantics = [#tpu.dimension_semantics<arbitrary>], iteration_bounds = array<i64: 2>, scalar_prefetch = 0 : i64, scratch_operands = 0 : i64, tpu.core_type = #tpu.core_type<tc>, window_params = [{pipeline_mode = #tpu.pipeline_mode<synchronous>, transform_indices = @transform_0, window_bounds = array<i64: 64, 128>}, {pipeline_mode = #tpu.pipeline_mode<synchronous>, transform_indices = @transform_1, window_bounds = array<i64: 625, 512>}, {pipeline_mode = #tpu.pipeline_mode<synchronous>, transform_indices = @transform_2, window_bounds = array<i64: 625, 512>}, {pipeline_mode = #tpu.pipeline_mode<synchronous>, transform_indices = @transform_3, window_bounds = array<i64: 625, 512>}, {transform_indices = @transform_4, window_bounds = array<i64: 1, 1024, 128>}, {pipeline_mode = #tpu.pipeline_mode<synchronous>, transform_indices = @transform_5, window_bounds = array<i64: 625, 512>}]} {
    %iota3A = tpu.iota {dimensions = array<i32: 0>} : vector<1024x1xi32>
    %iota3A_0 = tpu.iota {dimensions = array<i32: 1>} : vector<1024x64xi32>
    %jit3A = arith.constant 100 : i32
    %div3A = vector.broadcast %jit3A : i32 to vector<1024x1xi32>
    %div3A_1 = arith.divsi %iota3A, %div3A : vector<1024x1xi32>
    %sign3A = arith.constant 0 : i32
    %sign3A_2 = vector.broadcast %sign3A : i32 to vector<1024x1xi32>
    %sign3A_3 = arith.cmpi sgt, %iota3A, %sign3A_2 : vector<1024x1xi32>
    %sign3A_4 = arith.extui %sign3A_3 : vector<1024x1xi1> to vector<1024x1xi32>
    %sign3A_5 = arith.constant 0 : i32
    %sign3A_6 = vector.broadcast %sign3A_5 : i32 to vector<1024x1xi32>
    %sign3A_7 = arith.cmpi slt, %iota3A, %sign3A_6 : vector<1024x1xi32>
    %sign3A_8 = arith.extui %sign3A_7 : vector<1024x1xi1> to vector<1024x1xi32>
    %sign3A_9 = arith.subi %sign3A_4, %sign3A_8 : vector<1024x1xi32>
    %sign3A_10 = arith.constant 0 : i32
    %sign3A_11 = arith.cmpi sgt, %jit3A, %sign3A_10 : i32
    %sign3A_12 = arith.extui %sign3A_11 : i1 to i32
    %sign3A_13 = arith.constant 0 : i32
    %sign3A_14 = arith.cmpi slt, %jit3A, %sign3A_13 : i32
    %sign3A_15 = arith.extui %sign3A_14 : i1 to i32
    %sign3A_16 = arith.subi %sign3A_12, %sign3A_15 : i32
    %ne3A = vector.broadcast %sign3A_16 : i32 to vector<1024x1xi32>
    %ne3A_17 = arith.cmpi ne, %sign3A_9, %ne3A : vector<1024x1xi32>
    %rem3A = vector.broadcast %jit3A : i32 to vector<1024x1xi32>
    %rem3A_18 = arith.remsi %iota3A, %rem3A : vector<1024x1xi32>
    %ne3A_19 = arith.constant 0 : i32
    %ne3A_20 = vector.broadcast %ne3A_19 : i32 to vector<1024x1xi32>
    %ne3A_21 = arith.cmpi ne, %rem3A_18, %ne3A_20 : vector<1024x1xi32>
    %and3A = arith.andi %ne3A_17, %ne3A_21 : vector<1024x1xi1>
    %sub3A = arith.constant 1 : i32
    %sub3A_22 = vector.broadcast %sub3A : i32 to vector<1024x1xi32>
    %sub3A_23 = arith.subi %div3A_1, %sub3A_22 : vector<1024x1xi32>
    %select_n3A = arith.select %and3A, %sub3A_23, %div3A_1 : vector<1024x1xi1>, vector<1024x1xi32>
    %eq3A = vector.broadcast %select_n3A : vector<1024x1xi32> to vector<1024x64xi32>
    %eq3A_24 = arith.cmpi eq, %iota3A_0, %eq3A : vector<1024x64xi32>
    %jit3A_25 = arith.constant 10 : i32
    %div3A_26 = vector.broadcast %jit3A_25 : i32 to vector<1024x1xi32>
    %div3A_27 = arith.divsi %iota3A, %div3A_26 : vector<1024x1xi32>
    %sign3A_28 = arith.constant 0 : i32
    %sign3A_29 = vector.broadcast %sign3A_28 : i32 to vector<1024x1xi32>
    %sign3A_30 = arith.cmpi sgt, %iota3A, %sign3A_29 : vector<1024x1xi32>
    %sign3A_31 = arith.extui %sign3A_30 : vector<1024x1xi1> to vector<1024x1xi32>
    %sign3A_32 = arith.constant 0 : i32
    %sign3A_33 = vector.broadcast %sign3A_32 : i32 to vector<1024x1xi32>
    %sign3A_34 = arith.cmpi slt, %iota3A, %sign3A_33 : vector<1024x1xi32>
    %sign3A_35 = arith.extui %sign3A_34 : vector<1024x1xi1> to vector<1024x1xi32>
    %sign3A_36 = arith.subi %sign3A_31, %sign3A_35 : vector<1024x1xi32>
    %sign3A_37 = arith.constant 0 : i32
    %sign3A_38 = arith.cmpi sgt, %jit3A_25, %sign3A_37 : i32
    %sign3A_39 = arith.extui %sign3A_38 : i1 to i32
    %sign3A_40 = arith.constant 0 : i32
    %sign3A_41 = arith.cmpi slt, %jit3A_25, %sign3A_40 : i32
    %sign3A_42 = arith.extui %sign3A_41 : i1 to i32
    %sign3A_43 = arith.subi %sign3A_39, %sign3A_42 : i32
    %ne3A_44 = vector.broadcast %sign3A_43 : i32 to vector<1024x1xi32>
    %ne3A_45 = arith.cmpi ne, %sign3A_36, %ne3A_44 : vector<1024x1xi32>
    %rem3A_46 = vector.broadcast %jit3A_25 : i32 to vector<1024x1xi32>
    %rem3A_47 = arith.remsi %iota3A, %rem3A_46 : vector<1024x1xi32>
    %ne3A_48 = arith.constant 0 : i32
    %ne3A_49 = vector.broadcast %ne3A_48 : i32 to vector<1024x1xi32>
    %ne3A_50 = arith.cmpi ne, %rem3A_47, %ne3A_49 : vector<1024x1xi32>
    %and3A_51 = arith.andi %ne3A_45, %ne3A_50 : vector<1024x1xi1>
    %sub3A_52 = arith.constant 1 : i32
    %sub3A_53 = vector.broadcast %sub3A_52 : i32 to vector<1024x1xi32>
    %sub3A_54 = arith.subi %div3A_27, %sub3A_53 : vector<1024x1xi32>
    %select_n3A_55 = arith.select %and3A_51, %sub3A_54, %div3A_27 : vector<1024x1xi1>, vector<1024x1xi32>
    %jit3A_56 = arith.constant 10 : i32
    %eq3A_57 = arith.constant 0 : i32
    %eq3A_58 = arith.cmpi eq, %jit3A_56, %eq3A_57 : i32
    %jit3A_59 = arith.constant 1 : i32
    %select_n3A_60 = arith.select %eq3A_58, %jit3A_59, %jit3A_56 : i32
    %rem3A_61 = vector.broadcast %select_n3A_60 : i32 to vector<1024x1xi32>
    %rem3A_62 = arith.remsi %select_n3A_55, %rem3A_61 : vector<1024x1xi32>
    %ne3A_63 = arith.constant 0 : i32
    %ne3A_64 = vector.broadcast %ne3A_63 : i32 to vector<1024x1xi32>
    %ne3A_65 = arith.cmpi ne, %rem3A_62, %ne3A_64 : vector<1024x1xi32>
    %lt3A = arith.constant 0 : i32
    %lt3A_66 = vector.broadcast %lt3A : i32 to vector<1024x1xi32>
    %lt3A_67 = arith.cmpi slt, %rem3A_62, %lt3A_66 : vector<1024x1xi32>
    %lt3A_68 = arith.constant 0 : i32
    %lt3A_69 = arith.cmpi slt, %select_n3A_60, %lt3A_68 : i32
    %ne3A_70 = vector.broadcast %lt3A_69 : i1 to vector<1024x1xi1>
    %ne3A_71 = vector.broadcast %ne3A_70 : vector<1024x1xi1> to vector<1024x1xi1>
    %ne3A_72 = arith.xori %lt3A_67, %ne3A_71 : vector<1024x1xi1>
    %and3A_73 = arith.andi %ne3A_72, %ne3A_65 : vector<1024x1xi1>
    %add3A = vector.broadcast %select_n3A_60 : i32 to vector<1024x1xi32>
    %add3A_74 = arith.addi %rem3A_62, %add3A : vector<1024x1xi32>
    %select_n3A_75 = arith.select %and3A_73, %add3A_74, %rem3A_62 : vector<1024x1xi1>, vector<1024x1xi32>
    %add3A_76 = arith.constant 10 : i32
    %add3A_77 = vector.broadcast %add3A_76 : i32 to vector<1024x1xi32>
    %add3A_78 = arith.addi %add3A_77, %select_n3A_75 : vector<1024x1xi32>
    %eq3A_79 = vector.broadcast %add3A_78 : vector<1024x1xi32> to vector<1024x64xi32>
    %eq3A_80 = arith.cmpi eq, %iota3A_0, %eq3A_79 : vector<1024x64xi32>
    %or3A = arith.ori %eq3A_24, %eq3A_80 : vector<1024x64xi1>
    %jit3A_81 = arith.constant 10 : i32
    %eq3A_82 = arith.constant 0 : i32
    %eq3A_83 = arith.cmpi eq, %jit3A_81, %eq3A_82 : i32
    %jit3A_84 = arith.constant 1 : i32
    %select_n3A_85 = arith.select %eq3A_83, %jit3A_84, %jit3A_81 : i32
    %rem3A_86 = vector.broadcast %select_n3A_85 : i32 to vector<1024x1xi32>
    %rem3A_87 = arith.remsi %iota3A, %rem3A_86 : vector<1024x1xi32>
    %ne3A_88 = arith.constant 0 : i32
    %ne3A_89 = vector.broadcast %ne3A_88 : i32 to vector<1024x1xi32>
    %ne3A_90 = arith.cmpi ne, %rem3A_87, %ne3A_89 : vector<1024x1xi32>
    %lt3A_91 = arith.constant 0 : i32
    %lt3A_92 = vector.broadcast %lt3A_91 : i32 to vector<1024x1xi32>
    %lt3A_93 = arith.cmpi slt, %rem3A_87, %lt3A_92 : vector<1024x1xi32>
    %lt3A_94 = arith.constant 0 : i32
    %lt3A_95 = arith.cmpi slt, %select_n3A_85, %lt3A_94 : i32
    %ne3A_96 = vector.broadcast %lt3A_95 : i1 to vector<1024x1xi1>
    %ne3A_97 = vector.broadcast %ne3A_96 : vector<1024x1xi1> to vector<1024x1xi1>
    %ne3A_98 = arith.xori %lt3A_93, %ne3A_97 : vector<1024x1xi1>
    %and3A_99 = arith.andi %ne3A_98, %ne3A_90 : vector<1024x1xi1>
    %add3A_100 = vector.broadcast %select_n3A_85 : i32 to vector<1024x1xi32>
    %add3A_101 = arith.addi %rem3A_87, %add3A_100 : vector<1024x1xi32>
    %select_n3A_102 = arith.select %and3A_99, %add3A_101, %rem3A_87 : vector<1024x1xi1>, vector<1024x1xi32>
    %add3A_103 = arith.constant 20 : i32
    %add3A_104 = vector.broadcast %add3A_103 : i32 to vector<1024x1xi32>
    %add3A_105 = arith.addi %add3A_104, %select_n3A_102 : vector<1024x1xi32>
    %eq3A_106 = vector.broadcast %add3A_105 : vector<1024x1xi32> to vector<1024x64xi32>
    %eq3A_107 = arith.cmpi eq, %iota3A_0, %eq3A_106 : vector<1024x64xi32>
    %or3A_108 = arith.ori %or3A, %eq3A_107 : vector<1024x64xi1>
    %lt3A_109 = arith.constant 1000 : i32
    %lt3A_110 = vector.broadcast %lt3A_109 : i32 to vector<1024x1xi32>
    %lt3A_111 = arith.cmpi slt, %iota3A, %lt3A_110 : vector<1024x1xi32>
    %and3A_112 = vector.broadcast %lt3A_111 : vector<1024x1xi1> to vector<1024x64xi1>
    %and3A_113 = arith.andi %or3A_108, %and3A_112 : vector<1024x64xi1>
    %jit3A_114 = arith.constant 32 : i32
    %eq3A_115 = arith.constant 0 : i32
    %eq3A_116 = arith.cmpi eq, %jit3A_114, %eq3A_115 : i32
    %jit3A_117 = arith.constant 1 : i32
    %select_n3A_118 = arith.select %eq3A_116, %jit3A_117, %jit3A_114 : i32
    %rem3A_119 = vector.broadcast %select_n3A_118 : i32 to vector<1024x1xi32>
    %rem3A_120 = arith.remsi %iota3A, %rem3A_119 : vector<1024x1xi32>
    %ne3A_121 = arith.constant 0 : i32
    %ne3A_122 = vector.broadcast %ne3A_121 : i32 to vector<1024x1xi32>
    %ne3A_123 = arith.cmpi ne, %rem3A_120, %ne3A_122 : vector<1024x1xi32>
    %lt3A_124 = arith.constant 0 : i32
    %lt3A_125 = vector.broadcast %lt3A_124 : i32 to vector<1024x1xi32>
    %lt3A_126 = arith.cmpi slt, %rem3A_120, %lt3A_125 : vector<1024x1xi32>
    %lt3A_127 = arith.constant 0 : i32
    %lt3A_128 = arith.cmpi slt, %select_n3A_118, %lt3A_127 : i32
    %ne3A_129 = vector.broadcast %lt3A_128 : i1 to vector<1024x1xi1>
    %ne3A_130 = vector.broadcast %ne3A_129 : vector<1024x1xi1> to vector<1024x1xi1>
    %ne3A_131 = arith.xori %lt3A_126, %ne3A_130 : vector<1024x1xi1>
    %and3A_132 = arith.andi %ne3A_131, %ne3A_123 : vector<1024x1xi1>
    %add3A_133 = vector.broadcast %select_n3A_118 : i32 to vector<1024x1xi32>
    %add3A_134 = arith.addi %rem3A_120, %add3A_133 : vector<1024x1xi32>
    %select_n3A_135 = arith.select %and3A_132, %add3A_134, %rem3A_120 : vector<1024x1xi1>, vector<1024x1xi32>
    %add3A_136 = arith.constant 32 : i32
    %add3A_137 = vector.broadcast %add3A_136 : i32 to vector<1024x1xi32>
    %add3A_138 = arith.addi %add3A_137, %select_n3A_135 : vector<1024x1xi32>
    %eq3A_139 = vector.broadcast %add3A_138 : vector<1024x1xi32> to vector<1024x64xi32>
    %eq3A_140 = arith.cmpi eq, %iota3A_0, %eq3A_139 : vector<1024x64xi32>
    %lt3A_141 = arith.constant 1 : i32
    %lt3A_142 = arith.cmpi slt, %arg0, %lt3A_141 : i32
    %convert_element_type3A = arith.extui %and3A_113 : vector<1024x64xi1> to vector<1024x64xi32>
    %convert_element_type3A_143 = arith.sitofp %convert_element_type3A : vector<1024x64xi32> to vector<1024x64xf32>
    %convert_element_type3A_144 = arith.extui %eq3A_140 : vector<1024x64xi1> to vector<1024x64xi32>
    %convert_element_type3A_145 = arith.sitofp %convert_element_type3A_144 : vector<1024x64xi32> to vector<1024x64xf32>
    %select_n3A_146 = arith.select %lt3A_142, %convert_element_type3A_143, %convert_element_type3A_145 : vector<1024x64xf32>
    %get3A = arith.constant 0 : index
    %get3A_147 = arith.constant 0 : index
    %get3A_148 = vector.load %arg1[%get3A, %get3A_147] : memref<64x128xf32, #tpu.memory_space<vmem>>, vector<64x128xf32>
    %dot_general3A = arith.constant dense<0.000000e+00> : vector<1024x128xf32>
    %dot_general3A_149 = tpu.matmul %select_n3A_146, %get3A_148, %dot_general3A {dimension_numbers = #tpu.dot_dimension_numbers<[1], [0], [0], [1], [0, 0, 1, 1], [], []>, transpose_lhs_hint = false} : vector<1024x64xf32>, vector<64x128xf32>, vector<1024x128xf32> -> vector<1024x128xf32>
    %swap3A = arith.constant 0 : index
    %swap3A_150 = arith.constant 0 : index
    %swap3A_151 = arith.constant 0 : index
    %swap3A_152 = vector.load %arg5[%swap3A, %swap3A_150, %swap3A_151] : memref<1x1024x128xf32, #tpu.memory_space<vmem>>, vector<1x1024x128xf32>
    %swap3A_153 = vector.shape_cast %swap3A_152 : vector<1x1024x128xf32> to vector<1024x128xf32>
    %swap3A_154 = vector.shape_cast %dot_general3A_149 : vector<1024x128xf32> to vector<1x1024x128xf32>
    tpu.vector_store %arg5[%swap3A, %swap3A_150, %swap3A_151], %swap3A_154 {strides = array<i32>} : memref<1x1024x128xf32, #tpu.memory_space<vmem>>, vector<1x1024x128xf32>,
    %eq3A_155 = arith.constant 0 : i32
    %eq3A_156 = arith.cmpi eq, %arg0, %eq3A_155 : i32
    %convert_element_type3A_157 = arith.extui %eq3A_156 : i1 to i32
    %cond3A = arith.constant 0 : i32
    %cond3A_158 = arith.cmpi ne, %convert_element_type3A_157, %cond3A : i32
    scf.if %cond3A_158 {
      %get3A_159 = arith.constant 0 : index
      %get3A_160 = arith.constant 0 : index
      %get3A_161 = vector.load %arg2[%get3A_159, %get3A_160] : memref<625x512xi32, #tpu.memory_space<vmem>>, vector<625x512xi32>
      %mul3A = arith.constant 100 : i32
      %mul3A_162 = vector.broadcast %mul3A : i32 to vector<625x512xi32>
      %mul3A_163 = arith.muli %get3A_161, %mul3A_162 : vector<625x512xi32>
      %get3A_164 = arith.constant 0 : index
      %get3A_165 = arith.constant 0 : index
      %get3A_166 = vector.load %arg3[%get3A_164, %get3A_165] : memref<625x512xi32, #tpu.memory_space<vmem>>, vector<625x512xi32>
      %mul3A_167 = arith.constant 10 : i32
      %mul3A_168 = vector.broadcast %mul3A_167 : i32 to vector<625x512xi32>
      %mul3A_169 = arith.muli %get3A_166, %mul3A_168 : vector<625x512xi32>
      %add3A_170 = arith.addi %mul3A_163, %mul3A_169 : vector<625x512xi32>
      %get3A_171 = arith.constant 0 : index
      %get3A_172 = arith.constant 0 : index
      %get3A_173 = vector.load %arg4[%get3A_171, %get3A_172] : memref<625x512xi32, #tpu.memory_space<vmem>>, vector<625x512xi32>
      %add3A_174 = arith.addi %add3A_170, %get3A_173 : vector<625x512xi32>
      %swap3A_175 = arith.constant 0 : index
      %swap3A_176 = arith.constant 0 : index
      %swap3A_177 = vector.load %arg6[%swap3A_175, %swap3A_176] : memref<625x512xi32, #tpu.memory_space<vmem>>, vector<625x512xi32>
      tpu.vector_store %arg6[%swap3A_175, %swap3A_176], %add3A_174 {strides = array<i32>} : memref<625x512xi32, #tpu.memory_space<vmem>>, vector<625x512xi32>,
    } else {
    }
    return
  }
  func.func @transform_0(%arg0: i32) -> (i32, i32) {
    %c0_i32 = arith.constant 0 : i32
    %c0_i32_0 = arith.constant 0 : i32
    %c0_i32_1 = arith.constant 0 : i32
    return %c0_i32, %c0_i32_0 : i32, i32
  }
  func.func @transform_1(%arg0: i32) -> (i32, i32) {
    %c0_i32 = arith.constant 0 : i32
    %c0_i32_0 = arith.constant 0 : i32
    %c0_i32_1 = arith.constant 0 : i32
    return %c0_i32, %c0_i32_0 : i32, i32
  }
  func.func @transform_2(%arg0: i32) -> (i32, i32) {
    %c0_i32 = arith.constant 0 : i32
    %c0_i32_0 = arith.constant 0 : i32
    %c0_i32_1 = arith.constant 0 : i32
    return %c0_i32, %c0_i32_0 : i32, i32
  }
  func.func @transform_3(%arg0: i32) -> (i32, i32) {
    %c0_i32 = arith.constant 0 : i32
    %c0_i32_0 = arith.constant 0 : i32
    %c0_i32_1 = arith.constant 0 : i32
    return %c0_i32, %c0_i32_0 : i32, i32
  }
  func.func @transform_4(%arg0: i32) -> (i32, i32, i32) {
    %c0_i32 = arith.constant 0 : i32
    %c0_i32_0 = arith.constant 0 : i32
    %c0_i32_1 = arith.constant 0 : i32
    return %arg0, %c0_i32, %c0_i32_0 : i32, i32, i32
  }
  func.func @transform_5(%arg0: i32) -> (i32, i32) {
    %c0_i32 = arith.constant 0 : i32
    %c0_i32_0 = arith.constant 0 : i32
    %c0_i32_1 = arith.constant 0 : i32
    return %c0_i32, %c0_i32_0 : i32, i32
  }
}

module attributes {stable_mosaic.version = 14 : i64} {
  func.func @_x_body(%arg0: i32, %arg1: memref<1000x9xi32, #tpu.memory_space<vmem>>, %arg2: memref<1024x128xf32, #tpu.memory_space<vmem>>, %arg3: memref<1000x128xf32, #tpu.memory_space<vmem>>) attributes {dimension_semantics = [#tpu.dimension_semantics<arbitrary>], iteration_bounds = array<i64: 10>, scalar_prefetch = 0 : i64, scratch_operands = 0 : i64, tpu.core_type = #tpu.core_type<tc>, window_params = [{transform_indices = @transform_0, window_bounds = array<i64: 1000, 9>}, {pipeline_mode = #tpu.pipeline_mode<synchronous>, transform_indices = @transform_1, window_bounds = array<i64: 1024, 128>}, {transform_indices = @transform_2, window_bounds = array<i64: 1000, 128>}]} {
    %get3A = arith.constant 0 : index
    %get3A_0 = arith.constant 0 : index
    %get3A_1 = vector.load %arg1[%get3A, %get3A_0] : memref<1000x9xi32, #tpu.memory_space<vmem>>, vector<1000x9xi32>
    %iota3A = tpu.iota {dimensions = array<i32: 1>} : vector<1000x1024xi32>
    %broadcast_in_dim3A = arith.constant 0.000000e+00 : f32
    %broadcast_in_dim3A_2 = vector.broadcast %broadcast_in_dim3A : f32 to vector<1000x1024xf32>
    %slice3A = vector.extract_strided_slice %get3A_1 {offsets = [0, 0], sizes = [1000, 1], strides = [1, 1]} : vector<1000x9xi32> to vector<1000x1xi32>
    %add3A = arith.constant 0 : i32
    %add3A_3 = vector.broadcast %add3A : i32 to vector<1000x1xi32>
    %add3A_4 = arith.addi %slice3A, %add3A_3 : vector<1000x1xi32>
    %eq3A = vector.broadcast %add3A_4 : vector<1000x1xi32> to vector<1000x1024xi32>
    %eq3A_5 = arith.cmpi eq, %iota3A, %eq3A : vector<1000x1024xi32>
    %convert_element_type3A = arith.extui %eq3A_5 : vector<1000x1024xi1> to vector<1000x1024xi32>
    %convert_element_type3A_6 = arith.sitofp %convert_element_type3A : vector<1000x1024xi32> to vector<1000x1024xf32>
    %add3A_7 = arith.addf %broadcast_in_dim3A_2, %convert_element_type3A_6 : vector<1000x1024xf32>
    %slice3A_8 = vector.extract_strided_slice %get3A_1 {offsets = [0, 1], sizes = [1000, 1], strides = [1, 1]} : vector<1000x9xi32> to vector<1000x1xi32>
    %add3A_9 = arith.constant 100 : i32
    %add3A_10 = vector.broadcast %add3A_9 : i32 to vector<1000x1xi32>
    %add3A_11 = arith.addi %slice3A_8, %add3A_10 : vector<1000x1xi32>
    %eq3A_12 = vector.broadcast %add3A_11 : vector<1000x1xi32> to vector<1000x1024xi32>
    %eq3A_13 = arith.cmpi eq, %iota3A, %eq3A_12 : vector<1000x1024xi32>
    %convert_element_type3A_14 = arith.extui %eq3A_13 : vector<1000x1024xi1> to vector<1000x1024xi32>
    %convert_element_type3A_15 = arith.sitofp %convert_element_type3A_14 : vector<1000x1024xi32> to vector<1000x1024xf32>
    %add3A_16 = arith.addf %add3A_7, %convert_element_type3A_15 : vector<1000x1024xf32>
    %slice3A_17 = vector.extract_strided_slice %get3A_1 {offsets = [0, 2], sizes = [1000, 1], strides = [1, 1]} : vector<1000x9xi32> to vector<1000x1xi32>
    %add3A_18 = arith.constant 200 : i32
    %add3A_19 = vector.broadcast %add3A_18 : i32 to vector<1000x1xi32>
    %add3A_20 = arith.addi %slice3A_17, %add3A_19 : vector<1000x1xi32>
    %eq3A_21 = vector.broadcast %add3A_20 : vector<1000x1xi32> to vector<1000x1024xi32>
    %eq3A_22 = arith.cmpi eq, %iota3A, %eq3A_21 : vector<1000x1024xi32>
    %convert_element_type3A_23 = arith.extui %eq3A_22 : vector<1000x1024xi1> to vector<1000x1024xi32>
    %convert_element_type3A_24 = arith.sitofp %convert_element_type3A_23 : vector<1000x1024xi32> to vector<1000x1024xf32>
    %add3A_25 = arith.addf %add3A_16, %convert_element_type3A_24 : vector<1000x1024xf32>
    %slice3A_26 = vector.extract_strided_slice %get3A_1 {offsets = [0, 3], sizes = [1000, 1], strides = [1, 1]} : vector<1000x9xi32> to vector<1000x1xi32>
    %add3A_27 = arith.constant 300 : i32
    %add3A_28 = vector.broadcast %add3A_27 : i32 to vector<1000x1xi32>
    %add3A_29 = arith.addi %slice3A_26, %add3A_28 : vector<1000x1xi32>
    %eq3A_30 = vector.broadcast %add3A_29 : vector<1000x1xi32> to vector<1000x1024xi32>
    %eq3A_31 = arith.cmpi eq, %iota3A, %eq3A_30 : vector<1000x1024xi32>
    %convert_element_type3A_32 = arith.extui %eq3A_31 : vector<1000x1024xi1> to vector<1000x1024xi32>
    %convert_element_type3A_33 = arith.sitofp %convert_element_type3A_32 : vector<1000x1024xi32> to vector<1000x1024xf32>
    %add3A_34 = arith.addf %add3A_25, %convert_element_type3A_33 : vector<1000x1024xf32>
    %slice3A_35 = vector.extract_strided_slice %get3A_1 {offsets = [0, 4], sizes = [1000, 1], strides = [1, 1]} : vector<1000x9xi32> to vector<1000x1xi32>
    %add3A_36 = arith.constant 400 : i32
    %add3A_37 = vector.broadcast %add3A_36 : i32 to vector<1000x1xi32>
    %add3A_38 = arith.addi %slice3A_35, %add3A_37 : vector<1000x1xi32>
    %eq3A_39 = vector.broadcast %add3A_38 : vector<1000x1xi32> to vector<1000x1024xi32>
    %eq3A_40 = arith.cmpi eq, %iota3A, %eq3A_39 : vector<1000x1024xi32>
    %convert_element_type3A_41 = arith.extui %eq3A_40 : vector<1000x1024xi1> to vector<1000x1024xi32>
    %convert_element_type3A_42 = arith.sitofp %convert_element_type3A_41 : vector<1000x1024xi32> to vector<1000x1024xf32>
    %add3A_43 = arith.addf %add3A_34, %convert_element_type3A_42 : vector<1000x1024xf32>
    %slice3A_44 = vector.extract_strided_slice %get3A_1 {offsets = [0, 5], sizes = [1000, 1], strides = [1, 1]} : vector<1000x9xi32> to vector<1000x1xi32>
    %add3A_45 = arith.constant 500 : i32
    %add3A_46 = vector.broadcast %add3A_45 : i32 to vector<1000x1xi32>
    %add3A_47 = arith.addi %slice3A_44, %add3A_46 : vector<1000x1xi32>
    %eq3A_48 = vector.broadcast %add3A_47 : vector<1000x1xi32> to vector<1000x1024xi32>
    %eq3A_49 = arith.cmpi eq, %iota3A, %eq3A_48 : vector<1000x1024xi32>
    %convert_element_type3A_50 = arith.extui %eq3A_49 : vector<1000x1024xi1> to vector<1000x1024xi32>
    %convert_element_type3A_51 = arith.sitofp %convert_element_type3A_50 : vector<1000x1024xi32> to vector<1000x1024xf32>
    %add3A_52 = arith.addf %add3A_43, %convert_element_type3A_51 : vector<1000x1024xf32>
    %slice3A_53 = vector.extract_strided_slice %get3A_1 {offsets = [0, 6], sizes = [1000, 1], strides = [1, 1]} : vector<1000x9xi32> to vector<1000x1xi32>
    %add3A_54 = arith.constant 600 : i32
    %add3A_55 = vector.broadcast %add3A_54 : i32 to vector<1000x1xi32>
    %add3A_56 = arith.addi %slice3A_53, %add3A_55 : vector<1000x1xi32>
    %eq3A_57 = vector.broadcast %add3A_56 : vector<1000x1xi32> to vector<1000x1024xi32>
    %eq3A_58 = arith.cmpi eq, %iota3A, %eq3A_57 : vector<1000x1024xi32>
    %convert_element_type3A_59 = arith.extui %eq3A_58 : vector<1000x1024xi1> to vector<1000x1024xi32>
    %convert_element_type3A_60 = arith.sitofp %convert_element_type3A_59 : vector<1000x1024xi32> to vector<1000x1024xf32>
    %add3A_61 = arith.addf %add3A_52, %convert_element_type3A_60 : vector<1000x1024xf32>
    %slice3A_62 = vector.extract_strided_slice %get3A_1 {offsets = [0, 7], sizes = [1000, 1], strides = [1, 1]} : vector<1000x9xi32> to vector<1000x1xi32>
    %add3A_63 = arith.constant 700 : i32
    %add3A_64 = vector.broadcast %add3A_63 : i32 to vector<1000x1xi32>
    %add3A_65 = arith.addi %slice3A_62, %add3A_64 : vector<1000x1xi32>
    %eq3A_66 = vector.broadcast %add3A_65 : vector<1000x1xi32> to vector<1000x1024xi32>
    %eq3A_67 = arith.cmpi eq, %iota3A, %eq3A_66 : vector<1000x1024xi32>
    %convert_element_type3A_68 = arith.extui %eq3A_67 : vector<1000x1024xi1> to vector<1000x1024xi32>
    %convert_element_type3A_69 = arith.sitofp %convert_element_type3A_68 : vector<1000x1024xi32> to vector<1000x1024xf32>
    %add3A_70 = arith.addf %add3A_61, %convert_element_type3A_69 : vector<1000x1024xf32>
    %slice3A_71 = vector.extract_strided_slice %get3A_1 {offsets = [0, 8], sizes = [1000, 1], strides = [1, 1]} : vector<1000x9xi32> to vector<1000x1xi32>
    %add3A_72 = arith.constant 800 : i32
    %add3A_73 = vector.broadcast %add3A_72 : i32 to vector<1000x1xi32>
    %add3A_74 = arith.addi %slice3A_71, %add3A_73 : vector<1000x1xi32>
    %eq3A_75 = vector.broadcast %add3A_74 : vector<1000x1xi32> to vector<1000x1024xi32>
    %eq3A_76 = arith.cmpi eq, %iota3A, %eq3A_75 : vector<1000x1024xi32>
    %convert_element_type3A_77 = arith.extui %eq3A_76 : vector<1000x1024xi1> to vector<1000x1024xi32>
    %convert_element_type3A_78 = arith.sitofp %convert_element_type3A_77 : vector<1000x1024xi32> to vector<1000x1024xf32>
    %add3A_79 = arith.addf %add3A_70, %convert_element_type3A_78 : vector<1000x1024xf32>
    %get3A_80 = arith.constant 0 : index
    %get3A_81 = arith.constant 0 : index
    %get3A_82 = vector.load %arg2[%get3A_80, %get3A_81] : memref<1024x128xf32, #tpu.memory_space<vmem>>, vector<1024x128xf32>
    %dot_general3A = arith.constant dense<0.000000e+00> : vector<1000x128xf32>
    %dot_general3A_83 = tpu.matmul %add3A_79, %get3A_82, %dot_general3A {dimension_numbers = #tpu.dot_dimension_numbers<[1], [0], [0], [1], [0, 0, 1, 1], [], []>, transpose_lhs_hint = false} : vector<1000x1024xf32>, vector<1024x128xf32>, vector<1000x128xf32> -> vector<1000x128xf32>
    %swap3A = arith.constant 0 : index
    %swap3A_84 = arith.constant 0 : index
    %swap3A_85 = vector.load %arg3[%swap3A, %swap3A_84] : memref<1000x128xf32, #tpu.memory_space<vmem>>, vector<1000x128xf32>
    tpu.vector_store %arg3[%swap3A, %swap3A_84], %dot_general3A_83 {strides = array<i32>} : memref<1000x128xf32, #tpu.memory_space<vmem>>, vector<1000x128xf32>,
    return
  }
  func.func @transform_0(%arg0: i32) -> (i32, i32) {
    %c0_i32 = arith.constant 0 : i32
    %c0_i32_0 = arith.constant 0 : i32
    return %arg0, %c0_i32 : i32, i32
  }
  func.func @transform_1(%arg0: i32) -> (i32, i32) {
    %c0_i32 = arith.constant 0 : i32
    %c0_i32_0 = arith.constant 0 : i32
    %c0_i32_1 = arith.constant 0 : i32
    return %c0_i32, %c0_i32_0 : i32, i32
  }
  func.func @transform_2(%arg0: i32) -> (i32, i32) {
    %c0_i32 = arith.constant 0 : i32
    %c0_i32_0 = arith.constant 0 : i32
    return %arg0, %c0_i32 : i32, i32
  }
}

</mosaic_0001>

<sc_bundles>
// kernel: kernel.5.cloned.1.call-start
scs
__scs_entry_jumppad:
0x0: {  	(pc) =	sbr.rel $0x88, $3  }
0x1: {  	(tag) =	ssettag $0x0;
	lr =	simm.s32 $0x1  }
0x2: {  	[smem:$0x3F9B] =	sst lr;
	_ =	strace $0xD0000000  }
0x3: {  	_ = 	snop  }
0x4: {  	_ = 	snop  }
0x5: {  	_ = 	snop  }
0x6: {  	_ = 	snop  }
0x7: {  	_ = 	snop  }
__scs_overlays_trampoline_lowered:
0x8: {  	[smem:$0x3FAA] =	sst s0  }
0x9: {  	[smem:$0x3FAB] =	sst s1  }
0xa: {  	[smem:$0x3FAC] =	sst s2  }
0xb: {  	[smem:$0x3FAD] =	sst s3  }
0xc: {  	[smem:$0x3FAE] =	sst s4  }
0xd: {  	[smem:$0x3FAF] =	sst s5  }
0xe: {  	[smem:$0x3FB0] =	sst s6  }
0xf: {  	[smem:$0x3FB1] =	sst s7  }
0x10: {  	[smem:$0x3FB2] =	sst s8  }
0x11: {  	[smem:$0x3FB3] =	sst s9;
	s0 =	simm.s32 @!p0 $0x0  }
0x12: {  	s1 =	sld [smem:$0x3F99];
	s0 =	simm.s32 @p0 $0x1  }
0x13: {  	[smem:$0x3FB4] =	sst s0;
	s0 =	simm.s32 @!p1 $0x0  }
0x14: {  	s2 =	sld [smem:$0x3F98];
	s0 =	simm.s32 @p1 $0x1  }
0x15: {  	[smem:$0x3FB5] =	sst s0;
	s0 =	simm.s32 @!p2 $0x0  }
0x16: {  	s3 =	sld [smem:$0x3FDB];
	s0 =	simm.s32 @p2 $0x1  }
0x17: {  	s4 =	simm.s32 $0x1BF5;
	[smem:$0x3FB7] =	sst s0  }
0x18: {  	s0 =	sld [smem:$0x3F9A];
	_ =	swait.ge [sflag:s4], $0x0  }
0x19: {  	s7 =	sld [smem:$0x3F9B]  }
0x1a: {  	s8 =	sadd.s32 $0xFFFFE003, lr  }
0x1b: {  	s9 =	sadd.s32 $0xFFFFFEF7, lr;
	s5 =	simm.s32 $0xFFFFFFFF;
	p2 =	slt.u32 s8, $0xFFFFF086  }
0x1c: {  	p1 =	slt.u32 s9, $0xF7A;
	s5 =	simm.s32 @!p2 $0x0  }
0x1d: {  	s5 =	simm.s32 @p1 $0x1;
	p0 =	seq.s32 s7, s2  }
0x1e: {  	s7 =	smul.u32 @!p0 $0xF7A, s2;
	p2 =	seq.s32 @!p0 s5, $0x0  }
0x1f: {  	s9 =	smul.u32 $0xF7A, s1;
	s8 =	simm.s32 @!p0 $0x1BF5;
	p2 =	por !p2, p0  }
0x20: {  	[sflag:s8] =	ssyncset.s32 @!p0 $0xFFFFF086;
	s6 =	sadd.s32 @!p0 s3, s7;
	s7 =	simm.s32 @!p0 $0x108  }
0x21: {  	s3 =	sadd.s32 s3, s9;
	s6 =	sadd.s32 @!p0 $0x88, s6;
	s7 =	simm.s32 @p2 $0x1082  }
0x22: {  	[simem:s7], [sflag:s8] =	dma.local @!p0 [hbm:s6], $0xF7A  }
0x23: {  	s9 =	sor.u32 $0xD0000000, s2;
	s6 =	simm.s32 $0x108;
	_ =	swait.ge @!p0 [sflag:s8], $0x0  }
0x24: {  	s3 =	sadd.s32 $0x88, s3;
	s6 =	simm.s32 @!p1 $0x1082;
	[sflag:s4] =	ssyncset.s32 $0xFFFFF086  }
0x25: {  	[simem:s6], [sflag:s4] =	dma.local [hbm:s3], $0xF7A  }
0x26: {  	[smem:$0x3F9B] =	sst s1;
	(tag) =	ssettag s2;
	_ =	strace s9  }
0x27: {  	s1 =	sld [smem:$0x3FAB]  }
0x28: {  	s2 =	sld [smem:$0x3FAC]  }
0x29: {  	s4 =	sld [smem:$0x3FAE]  }
0x2a: {  	p0 =	seq.s32 s5, $0x0;
	s5 =	sld [smem:$0x3FAF]  }
0x2b: {  	s6 =	sld [smem:$0x3FB0]  }
0x2c: {  	s7 =	sld [smem:$0x3FB1]  }
0x2d: {  	s3 =	simm.s32 $0x108;
	s8 =	sld [smem:$0x3FB2]  }
0x2e: {  	s3 =	simm.s32 @!p0 $0x1082;
	s9 =	sld [smem:$0x3FB3]  }
0x2f: {  	lr =	sadd.s32 s0, s3;
	s0 =	sld [smem:$0x3FAA]  }
0x30: {  	s3 =	sld [smem:$0x3FAD]  }
0x31: {  	[smem:$0x3FB6] =	sst s10  }
0x32: {  	s10 =	sld [smem:$0x3FB4];
	_ =	sdelay $0x3  }
0x33: {  	p0 =	seq.s32 s10, $0x1;
	s10 =	sld [smem:$0x3FB6];
	_ =	sdelay $0x3  }
0x34: {  	[smem:$0x3FB6] =	sst s10  }
0x35: {  	s10 =	sld [smem:$0x3FB5];
	_ =	sdelay $0x3  }
0x36: {  	p1 =	seq.s32 s10, $0x1;
	s10 =	sld [smem:$0x3FB6];
	_ =	sdelay $0x3  }
0x37: {  	[smem:$0x3FB6] =	sst s10  }
0x38: {  	s10 =	sld [smem:$0x3FB7]  }
0x39: {  	_ = 	snop;
	(pc) =	sbr.ind lr, $3  }
0x3a: {  	_ = 	snop  }
0x3b: {  	_ = 	snop  }
0x3c: {  	p2 =	seq.s32 s10, $0x1;
	s10 =	sld [smem:$0x3FB6]  }
0x3d: {  	_ =	shalt  }
0x3e: {  	_ =	shalt  }
0x3f: {  	_ =	shalt  }
0x40: {  	_ =	shalt  }
0x41: {  	_ =	shalt  }
0x42: {  	_ =	shalt  }
0x43: {  	_ =	shalt  }
0x44: {  	_ =	shalt  }
0x45: {  	_ =	shalt  }
0x46: {  	_ =	shalt  }
0x47: {  	_ =	shalt  }
0x48: {  	_ =	shalt  }
0x49: {  	_ =	shalt  }
0x4a: {  	_ =	shalt  }
0x4b: {  	_ =	shalt  }
0x4c: {  	_ =	shalt  }
0x4d: {  	_ =	shalt  }
0x4e: {  	_ =	shalt  }
0x4f: {  	_ =	shalt  }
0x50: {  	_ =	shalt  }
0x51: {  	_ =	shalt  }
0x52: {  	_ =	shalt  }
0x53: {  	_ =	shalt  }
0x54: {  	_ =	shalt  }
0x55: {  	_ =	shalt  }
0x56: {  	_ =	shalt  }
0x57: {  	_ =	shalt  }
0x58: {  	_ =	shalt  }
0x59: {  	_ =	shalt  }
0x5a: {  	_ =	shalt  }
0x5b: {  	_ =	shalt  }
0x5c: {  	_ =	shalt  }
0x5d: {  	_ =	shalt  }
0x5e: {  	_ =	shalt  }
0x5f: {  	_ =	shalt  }
0x60: {  	_ =	shalt  }
0x61: {  	_ =	shalt  }
0x62: {  	_ =	shalt  }
0x63: {  	_ =	shalt  }
0x64: {  	_ =	shalt  }
0x65: {  	_ =	shalt  }
0x66: {  	_ =	shalt  }
0x67: {  	_ =	shalt  }
0x68: {  	_ =	shalt  }
0x69: {  	_ =	shalt  }
0x6a: {  	_ =	shalt  }
0x6b: {  	_ =	shalt  }
0x6c: {  	_ =	shalt  }
0x6d: {  	_ =	shalt  }
0x6e: {  	_ =	shalt  }
0x6f: {  	_ =	shalt  }
0x70: {  	_ =	shalt  }
0x71: {  	_ =	shalt  }
0x72: {  	_ =	shalt  }
0x73: {  	_ =	shalt  }
0x74: {  	_ =	shalt  }
0x75: {  	_ =	shalt  }
0x76: {  	_ =	shalt  }
0x77: {  	_ =	shalt  }
0x78: {  	_ =	shalt  }
0x79: {  	_ =	shalt  }
0x7a: {  	_ =	shalt  }
0x7b: {  	_ =	shalt  }
0x7c: {  	_ =	shalt  }
0x7d: {  	_ =	shalt  }
0x7e: {  	_ =	shalt  }
0x7f: {  	_ =	shalt  }
0x80: {  	_ =	shalt  }
0x81: {  	_ =	shalt  }
0x82: {  	_ =	shalt  }
0x83: {  	_ =	shalt  }
0x84: {  	_ =	shalt  }
0x85: {  	_ =	shalt  }
0x86: {  	_ =	shalt  }
0x87: {  	_ =	shalt  }
.Lfunc_end0:
.L_simem_size_0:
called_computation_lowered:
.L_overlay_start_0:
0x88: {  	s2 =	sld [smem:$0x3FD9]  }
0x89: {  	s3 =	sld [smem:$0x3FFE];
	_ =	sdelay $0x1  }
0x8a: {  	s1 =	srdreg.scid  }
0x8b: {  	s0 =	sand.u32 $0x1, s1  }
0x8c: {  	s14 =	sshll.u32 s0, $0xA;
	s2 =	sadd.s32 s3, s2  }
0x8d: {  	s2 =	sadd.s32 s2, s14  }
0x8e: {  	[smem:$0x3FC2] =	sst s2  }
0x8f: {  	_ = 	snop  }
0x90: {  	s2 =	sld [smem:$0x3FD0];
	_ =	sdelay $0x2  }
0x91: {  	s4 =	simm.s32 $0xA;
	s5 =	simm.s32 $0x10;
	s15 =	sld [smem:$0x3FC7]  }
0x92: {  	[smem:s5], [sflag:s4] =	dma.local [hbm:s2], $0x1  }
0x93: {  	_ =	swait.eq [sflag:s4], $0x1  }
0x94: {  	[sflag:s4] =	ssyncset.done $0x0  }
0x95: {  	s16 =	sld [smem:$0x11];
	[sflag:s4] =	ssyncadd.s32 $0xFFFFFFFF  }
0x96: {  	s17 =	sld [smem:$0x12];
	(tm) =	ssettm $0x1  }
0x97: {  	s18 =	sld [smem:$0x3FFB];
	_ =	sdelay $0x3  }
0x98: {  	_ =	strace s18  }
0x99: {  	s5 =	sld [smem:$0x3FFC];
	_ =	sdelay $0x3  }
0x9a: {  	_ =	strace s5  }
0x9b: {  	s5 =	sld [smem:$0x3FFD];
	_ =	sdelay $0x3  }
0x9c: {  	_ =	strace s5  }
0x9d: {  	_ =	strace $0x8FFFFFFF  }
0x9e: {  	s19 =	sld [smem:$0x3FDB];
	_ =	sdelay $0x1  }
0x9f: {  	s6 =	simm.s32 $_scs_section_size  }
0xa0: {  	s7 =	simm.s32 $_size__tile_overlayer_lowered;
	s8 =	simm.s32 $_tile_overlayer_lowered  }
0xa1: {  	s22 =	simm.s32 $0x1BFF;
	s21 =	sshll.u32 s8, $0x1;
	s5 =	sadd.s32 s6, s19  }
0xa2: {  	s9 =	simm.s32 $0x0;
	s20 =	sshll.u32 s7, $0x1;
	s7 =	sadd.s32 s21, s5  }
0xa3: {  	[timem:s9], [sflag:s22] =	dma.local [hbm:s7], s20  }
0xa4: {  	_ =	swait.ge [sflag:s22], s20  }
0xa5: {  	s6 =	ssub.s32 $0x0, s20;
	[sflag:s22] =	ssyncset.done $0x0  }
0xa6: {  	[sflag:s22] =	ssyncadd.s32 s6;
	_ =	sdelay $0x1  }
0xa7: {  	s23 =	simm.s32 $0x1B8B  }
0xa8: {  	_ =	swait.ge [sflag:s23], $0x1  }
0xa9: {  	[sflag:s23] =	ssyncset.done $0x0  }
0xaa: {  	s25 =	simm.s32 $0x1B8E;
	s24 =	sld [smem:$0x3FFE];
	[sflag:s23] =	ssyncadd.s32 $0xFFFFFFFF  }
0xab: {  	s26 =	simm.s32 $execute0_lowered;
	[smem:$0x3FD2] =	sst s25  }
0xac: {  	s7 =	sshll.u32 s26, $0x1;
	_ =	strace $0x80000046;
	[dreg:$0x1] =	wrdreg $0xFFFFFFFF  }
0xad: {  	s28 =	simm.s32 $_size_execute0_lowered;
	s5 =	sadd.s32 s5, s7;
	[dreg:$0x0] =	wrdreg $0x0  }
0xae: {  	s7 =	sshll.u32 s28, $0x1;
	[dreg:$0x2] =	wrdreg s5  }
0xaf: {  	[dreg:$0x3] =	wrdreg s7  }
0xb0: {  	[dreg:$0x4] =	wrdreg $0xC0  }
0xb1: {  	_ =	task [dreg:s9], $0x5FFFF  }
0xb2: {  	[dreg:$0x1] =	wrdreg $0xFFFFFFFF  }
0xb3: {  	[dreg:$0x0] =	wrdreg $0x60  }
0xb4: {  	[dreg:$0x2] =	wrdreg s24  }
0xb5: {  	[dreg:$0x3] =	wrdreg s15  }
0xb6: {  	[dreg:$0x4] =	wrdreg s16  }
0xb7: {  	[dreg:$0x5] =	wrdreg s17  }
0xb8: {  	[dreg:$0x6] =	wrdreg $0x1CF000  }
0xb9: {  	[dreg:$0x7] =	wrdreg $0x1EF000  }
0xba: {  	[dreg:$0x8] =	wrdreg $0x9  }
0xbb: {  	_ =	task.clear_ibuf [dreg:s9], $0x9FFFF;
	_ =	strace $0x90000046  }
0xbc: {  	s29 =	simm.s32 $0x9;
	_ =	strace $0x80000048  }
0xbd: {  	_ =	swait.ge [sflag:s29], $0x1  }
0xbe: {  	[sflag:s29] =	ssyncadd.s32 $0xFFFFFFFF  }
0xbf: {  	_ =	strace $0x90000048  }
0xc0: {  	_ =	sfence  }
0xc1: {  	s30 =	sld [smem:$0x0];
	_ =	sdelay $0x2  }
0xc2: {  	s31 =	sshll.u32 s1, $0xD;
	s1 =	sshrl.u32 s1, $0x2  }
0xc3: {  	s3 =	sand.u32 $0x4000, s31;
	s1 =	sadd.s32 s1, s30  }
0xc4: {  	s0 =	sor.u32 s3, s0;
	s1 =	sshll.u32 s1, $0x11  }
0xc5: {  	s0 =	sor.u32 s1, s0  }
0xc6: {  	s0 =	sadd.s32 $0x8F2B, s0  }
0xc7: {  	[sflag:s0] =	ssyncadd.remote.s32 $0x1  }
0xc8: {  	_ =	sfence.sel $0xFFFF  }
0xc9: {  	[dreg:$0x0] =	wrdreg $0xFFFFFFFF;
	(pc) =	sbr.abs _section_cstart, $3  }
0xca: {  	[dreg:$0x1] =	wrdreg $0xFFFFFFFF  }
0xcb: {  	_ =	task.clear_ibuf [dreg:s9], $0x2FFFF;
	_ =	strace $0x9FFFFFFF  }
0xcc: {  	(tm) =	ssettm $0x7FFFFFFF  }
0xcd: {  	_ =	shalt  }
tec
execute0_lowered:
.L_overlay_start_1:
0x0: {  	(tag) =	ssettag $0x1  }
0x1: {  	s2 =	rddreg [dreg:$0x0]  }
0x2: {  	s7 =	rddreg [dreg:$0x1]  }
0x3: {  	s0 =	rddreg [dreg:$0x2];
	s3 =	srdreg.scid  }
0x4: {  	s8 =	stileid.u32;
	s1 =	rddreg [dreg:$0x3]  }
0x5: {  	s6 =	simm.s32 $0x0;
	s22 =	simm.s32 $0x80;
	s20 =	simm.s32 $0x1  }
0x6: {  	s23 =	simm.s32 $0x4F00;
	s9 =	sand.u32 $0x1, s3;
	s4 =	sshll.u32 s8, $0x1  }
0x7: {  	s21 =	simm.s32 $0x8F00;
	s3 =	rddreg [dreg:$0x4];
	s10 =	sor.u32 s9, s4  }
0x8: {  	s24 =	simm.s32 $0xCF00;
	[smem:$0x7FF] =	sst s6;
	s5 =	smul.u32 $0x2710, s10  }
0x9: {  	s13 =	sadd.s32 $0xE200, s2;
	s4 =	rddreg [dreg:$0x5];
	_ =	strace $0x80000047  }
0xa: {  	s9 =	ssub.s32 $0x2, s9;
	s10 =	smul.u32 $0x138800, s10;
	s11 =	sshrl.u32 s5, $0x3  }
0xb: {  	[dreg:$0x7] =	wrdreg s13;
	s12 =	sadd.s32 s11, s2;
	s2 =	sadd.s32 $0xA200, s2  }
0xc: {  	s10 =	sshrl.u32 s10, $0x3;
	s7 =	sadd.s32 s7, s11;
	[dreg:$0x8] =	wrdreg s2  }
0xd: {  	s28 =	sadd.s32 $0x27000, s10;
	s29 =	sadd.s32 $0x400, s12;
	[dreg:$0xa] =	wrdreg s7  }
0xe: {  	s25 =	sshrl.u32 s9, $0x1;
	s30 =	sadd.s32 s0, s28;
	[dreg:$0x9] =	wrdreg s29  }
0xf: {  	s26 =	ssub.s32 s9, s25;
	s31 =	sadd.s32 s1, s28;
	[dreg:$0xb] =	wrdreg s30  }
0x10: {  	p0 =	sne.s32 s8, $0x0;
	s2 =	smax.u32 s26, $0x1;
	[dreg:$0xc] =	wrdreg s31  }
0x11: {  	s19 =	simm.s32 $0x14F00;
	[dreg:$0xd] =	wrdreg s2;
	s2 =	sshrl.u32 @!p0 s3, $0x3  }
0x12: {  	s13 =	simm.s32 $0x18F00;
	[dreg:$0xe] =	wrdreg s2;
	s2 =	sshrl.u32 @!p0 s4, $0x3  }
0x13: {  	s25 =	simm.s32 $0x10F00;
	s7 =	simm.s32 $0x0;
	[dreg:$0xf] =	wrdreg s2  }
.LBB2_1:
0x14: {  	[dreg:$0x10] =	wrdreg s7  }
0x15: {  	s2 =	rddreg [dreg:$0x9]  }
0x16: {  	s14 =	rddreg [dreg:$0xa]  }
0x17: {  	s8 =	rddreg [dreg:$0xe]  }
0x18: {  	[tilespmem:s6], [sflag:$0x3] =	stream.linear.gather [hbm4b:s2+s6], $0x2710, $0x38;
	[tilespmem:$0x1F000] =	vst v63  }
0x19: {  	s15 =	simm.s32 $0x2780;
	s7 =	simm.s32 @!p0 $0x1C04;
	s2 =	rddreg [dreg:$0x7]  }
0x1a: {  	[tilespmem:s15], [sflag:$0x3] =	stream.linear.gather [hbm4b:s14+s6], $0x2710, $0x38;
	[tilespmem:$0x1F000] =	vst v63  }
0x1b: {  	[spmem:s8], [sflag:s7] =	dma.local @!p0 [hbm:s2], $0x4000  }
0x1c: {  	s8 =	simm.s32 @!p0 $0x4  }
0x1d: {  	_ =	swait.ge @!p0 [sflag:s8], $0x4000  }
0x1e: {  	[sflag:s8] =	ssyncset.done @!p0 $0x0;
	s2 =	rddreg [dreg:$0x8]  }
0x1f: {  	s9 =	rddreg [dreg:$0xf];
	[sflag:s8] =	ssyncadd.s32 @!p0 $0xFFFFC000  }
0x20: {  	[spmem:s9], [sflag:s7] =	dma.local @!p0 [hbm:s2], $0x200  }
0x21: {  	_ =	swait.ge @!p0 [sflag:s8], $0x200  }
0x22: {  	[sflag:s8] =	ssyncset.done @!p0 $0x0  }
0x23: {  	s16 =	simm.s32 $0x3;
	[sflag:s8] =	ssyncadd.s32 @!p0 $0xFFFFFE00  }
0x24: {  	_ =	swait.ge [sflag:s16], $0x2710  }
0x25: {  	[sflag:s16] =	ssyncset.done $0x0  }
0x26: {  	[sflag:s16] =	ssyncadd.s32 $0xFFFFD8F0  }
0x27: {  	_ =	swait.ge [sflag:s16], $0x2710  }
0x28: {  	p1 =	por $0x0, $0x0;
	[sflag:s16] =	ssyncset.done $0x0  }
0x29: {  	p2 =	por p1, p1;
	[sflag:s16] =	ssyncadd.s32 $0xFFFFD8F0  }
0x2a: {  	s7 =	simm.s32 @p2 $0x2;
	[bflag:$0x0] =	sbarrier.arrive $0xFFFF  }
0x2b: {  	_ =	swait.ge @p2 [sflag:s7], $0x4000  }
0x2c: {  	s10 =	simm.s32 @p2 $0x80;
	[sflag:s7] =	ssyncset.done @p2 $0x0  }
0x2d: {  	s9 =	simm.s32 @p2 $0x0;
	s8 =	simm.s32 @p2 $0x4F00;
	[sflag:s7] =	ssyncadd.s32 @p2 $0xFFFFC000  }
0x2e: {  	[tilespmem:s8], [sflag:$0x1] =	stream.indirect.gather @p2 [spmem:s3], $0x80, s9, s10, $0xb8;
	[tilespmem:$0x1F000] =	vst v63  }
0x2f: {  	_ =	swait.ge @p2 [sflag:s7], $0x4000  }
0x30: {  	[sflag:s7] =	ssyncset.done @p2 $0x0  }
0x31: {  	s8 =	simm.s32 @p2 $0x80;
	s9 =	simm.s32 @p2 $0x8F00;
	[sflag:s7] =	ssyncadd.s32 @p2 $0xFFFFC000  }
0x32: {  	[tilespmem:s9], [sflag:$0x1] =	stream.indirect.gather @p2 [spmem:s3], $0x80, s8, s10, $0xb8;
	[tilespmem:$0x1F000] =	vst v63  }
0x33: {  	_ =	swait.ge @p2 [sflag:s7], $0x4000  }
0x34: {  	[sflag:s7] =	ssyncset.done @p2 $0x0  }
0x35: {  	s8 =	simm.s32 @p2 $0x100;
	s9 =	simm.s32 @p2 $0xCF00;
	[sflag:s7] =	ssyncadd.s32 @p2 $0xFFFFC000  }
0x36: {  	[tilespmem:s9], [sflag:$0x1] =	stream.indirect.gather @p2 [spmem:s3], $0x80, s8, s10, $0xb8;
	[tilespmem:$0x1F000] =	vst v63  }
0x37: {  	_ =	swait.ge @p2 [sflag:s7], $0x4000  }
0x38: {  	[sflag:s7] =	ssyncset.done @p2 $0x0  }
0x39: {  	s8 =	simm.s32 @p2 $0x180;
	s9 =	simm.s32 @p2 $0x10F00;
	[sflag:s7] =	ssyncadd.s32 @p2 $0xFFFFC000  }
0x3a: {  	[tilespmem:s9], [sflag:$0x1] =	stream.indirect.gather @p2 [spmem:s3], $0x80, s8, s10, $0xb8;
	[tilespmem:$0x1F000] =	vst v63  }
0x3b: {  	s11 =	simm.s32 @!p2 $0x0;
	_ =	swait.ge @p2 [sflag:s7], $0x4000  }
0x3c: {  	s12 =	simm.s32 @!p2 $0xCF00;
	s14 =	simm.s32 $0x500;
	[sflag:s7] =	ssyncset.done @p2 $0x0  }
0x3d: {  	s8 =	simm.s32 $0x200;
	s9 =	simm.s32 @p2 $0x14F00;
	[sflag:s7] =	ssyncadd.s32 @p2 $0xFFFFC000  }
0x3e: {  	[tilespmem:s9], [sflag:$0x1] =	stream.indirect.gather @p2 [spmem:s3], $0x80, s8, s10, $0xb8;
	[tilespmem:$0x1F000] =	vst v63  }
0x3f: {  	s8 =	simm.s32 @p1 $0x0;
	s9 =	simm.s32 @p1 $0x80;
	s10 =	simm.s32 @!p2 $0x4F00  }
0x40: {  	_ =	swait.ge @p2 [sflag:s7], $0x4000;
	s8 =	simm.s32 @!p1 $0x0;
	s9 =	simm.s32 @!p1 $0x80  }
0x41: {  	[sflag:s7] =	ssyncset.done @p2 $0x0;
	s17 =	sadd.s32 s5, s8;
	s18 =	sadd.s32 $0x280, s8  }
0x42: {  	s8 =	simm.s32 @p1 $0x180;
	[sflag:s7] =	ssyncadd.s32 @p2 $0xFFFFC000;
	s7 =	simm.s32 @!p2 $0x80  }
0x43: {  	[tilespmem:s10], [sflag:$0x1] =	stream.indirect.gather @!p2 [spmem:s3], $0x80, s11, s7, $0xb8;
	[tilespmem:$0x1F000] =	vst v63  }
0x44: {  	s9 =	sadd.s32 s5, s9;
	s8 =	simm.s32 @!p1 $0x180;
	s10 =	simm.s32 @!p2 $0x8F00  }
0x45: {  	[tilespmem:s10], [sflag:$0x1] =	stream.indirect.gather @!p2 [spmem:s3], $0x80, s7, s7, $0xb8;
	[tilespmem:$0x1F000] =	vst v63  }
0x46: {  	s9 =	sshll.u32 s9, $0x4;
	s11 =	simm.s32 @!p2 $0x100;
	s8 =	sadd.s32 s5, s8  }
0x47: {  	[tilespmem:s12], [sflag:$0x1] =	stream.indirect.gather @!p2 [spmem:s3], $0x80, s11, s7, $0xb8;
	[tilespmem:$0x1F000] =	vst v63  }
0x48: {  	s8 =	sshll.u32 s8, $0x4;
	s11 =	simm.s32 @!p2 $0x180;
	s12 =	simm.s32 @!p2 $0x10F00  }
0x49: {  	[tilespmem:s12], [sflag:$0x1] =	stream.indirect.gather @!p2 [spmem:s3], $0x80, s11, s7, $0xb8;
	[tilespmem:$0x1F000] =	vst v63  }
0x4a: {  	s10 =	sshll.u32 s17, $0x4;
	s11 =	simm.s32 @!p2 $0x200;
	s12 =	simm.s32 @!p2 $0x14F00  }
0x4b: {  	[tilespmem:s12], [sflag:$0x1] =	stream.indirect.gather @!p2 [spmem:s3], $0x80, s11, s7, $0xb8;
	[tilespmem:$0x1F000] =	vst v63  }
0x4c: {  	s9 =	sadd.s32 s0, s9;
	s8 =	sadd.s32 s0, s8;
	s10 =	sadd.s32 s0, s10  }
0x4d: {  	[tilespmem:s13], [sflag:$0x1] =	stream.indirect.gather [spmem:s3], $0x80, s18, s22, $0xb8;
	[tilespmem:$0x1F000] =	vst v63  }
0x4e: {  	s7 =	simm.s32 @p1 $0x100;
	s11 =	simm.s32 $0x800;
	_ =	swait.ge [sflag:s20], $0x4000  }
0x4f: {  	s12 =	sadd.s32 s5, s18;
	s7 =	simm.s32 @!p1 $0x100;
	[sflag:s20] =	ssyncset.done $0x0  }
0x50: {  	s12 =	sshll.u32 s12, $0x4;
	s7 =	sadd.s32 s5, s7;
	[sflag:s20] =	ssyncadd.s32 $0xFFFFC000  }
0x51: {  	[hbm4b:s10+s6] =	stream.linear.scatter [tilespmem:s23], [sflag:$0x2], $0x4000, $0x38;
	[tilespmem:$0x1F000] =	vst v63  }
0x52: {  	s13 =	simm.s32 $0x500;
	s12 =	sadd.s32 s0, s12;
	_ =	swait.ge [sflag:s20], $0x4000  }
0x53: {  	s7 =	sshll.u32 s7, $0x4;
	s10 =	simm.s32 $0x200;
	[sflag:s20] =	ssyncset.done $0x0  }
0x54: {  	s7 =	sadd.s32 s0, s7;
	s10 =	simm.s32 @!p1 $0x200;
	[sflag:s20] =	ssyncadd.s32 $0xFFFFC000  }
0x55: {  	[hbm4b:s9+s6] =	stream.linear.scatter [tilespmem:s21], [sflag:$0x2], $0x4000, $0x38;
	[tilespmem:$0x1F000] =	vst v63  }
0x56: {  	p1 =	por $0x1, $0x1;
	s10 =	sadd.s32 s5, s10;
	_ =	swait.ge [sflag:s20], $0x4000  }
0x57: {  	s29 =	simm.s32 @p1 $0x300;
	s13 =	simm.s32 @!p1 $0x200;
	[sflag:s20] =	ssyncset.done $0x0  }
0x58: {  	s26 =	sshll.u32 s10, $0x4;
	s29 =	simm.s32 @!p1 $0x0;
	[sflag:s20] =	ssyncadd.s32 $0xFFFFC000  }
0x59: {  	[hbm4b:s7+s6] =	stream.linear.scatter [tilespmem:s24], [sflag:$0x2], $0x4000, $0x38;
	[tilespmem:$0x1F000] =	vst v63  }
0x5a: {  	s10 =	simm.s32 @p1 $0x480;
	s30 =	sadd.s32 s5, s13;
	_ =	swait.ge [sflag:s20], $0x4000  }
0x5b: {  	s28 =	sadd.s32 s5, s29;
	s10 =	simm.s32 @!p1 $0x180;
	[sflag:s20] =	ssyncset.done $0x0  }
0x5c: {  	s9 =	sadd.s32 s0, s26;
	s31 =	sshll.u32 s28, $0x4;
	[sflag:s20] =	ssyncadd.s32 $0xFFFFC000  }
0x5d: {  	[hbm4b:s8+s6] =	stream.linear.scatter [tilespmem:s25], [sflag:$0x2], $0x4000, $0x38;
	[tilespmem:$0x1F000] =	vst v63  }
0x5e: {  	s10 =	sadd.s32 s5, s10;
	s7 =	simm.s32 @p1 $0x380;
	_ =	swait.ge [sflag:s20], $0x4000  }
0x5f: {  	s7 =	simm.s32 @!p1 $0x80;
	s8 =	simm.s32 @p1 $0x400;
	[sflag:s20] =	ssyncset.done $0x0  }
0x60: {  	s7 =	sadd.s32 s5, s7;
	s8 =	simm.s32 @!p1 $0x100;
	[sflag:s20] =	ssyncadd.s32 $0xFFFFC000  }
0x61: {  	[hbm4b:s9+s6] =	stream.linear.scatter [tilespmem:s19], [sflag:$0x2], $0x4000, $0x38;
	[tilespmem:$0x1F000] =	vst v63  }
0x62: {  	s7 =	sshll.u32 s7, $0x4;
	s8 =	sadd.s32 s5, s8;
	_ =	swait.ge [sflag:s20], $0x4000  }
0x63: {  	p1 =	por p1, p1;
	s9 =	sshll.u32 s8, $0x4;
	[sflag:s20] =	ssyncset.done $0x0  }
0x64: {  	s8 =	sshll.u32 s10, $0x4;
	s10 =	sshll.u32 s30, $0x4;
	[sflag:s20] =	ssyncadd.s32 $0xFFFFC000  }
.LBB2_2:
0x65: {  	s1 =	simm.s32 $0x18F00;
	s15 =	smov.u32 s11  }
0x66: {  	[hbm4b:s12+s6] =	stream.linear.scatter [tilespmem:s1], [sflag:$0x2], $0x4000, $0x38;
	[tilespmem:$0x1F000] =	vst v63  }
0x67: {  	s11 =	sadd.s32 $0x300, s11;
	s30 =	simm.s32 @p1 $0x2;
	p2 =	sne.s32 s15, $0x200  }
0x68: {  	s12 =	sadd.s32 @p2 $0xFFFFFE00, s15;
	s16 =	sadd.s32 @p2 $0xFFFFFE80, s15;
	_ =	swait.ge @p1 [sflag:s30], $0x4000  }
0x69: {  	s13 =	simm.s32 @p1 $0x4F00;
	s12 =	simm.s32 @!p2 $0x0;
	[sflag:s30] =	ssyncset.done @p1 $0x0  }
0x6a: {  	s17 =	sadd.s32 @p1 $0xFFFFFE00, s14;
	s2 =	simm.s32 @p1 $0x80;
	[sflag:s30] =	ssyncadd.s32 @p1 $0xFFFFC000  }
0x6b: {  	[tilespmem:s13], [sflag:$0x1] =	stream.indirect.gather @p1 [spmem:s3], $0x80, s17, s2, $0xb8;
	[tilespmem:$0x1F000] =	vst v63  }
0x6c: {  	s16 =	simm.s32 @!p2 $0x80;
	s13 =	sadd.s32 s5, s12;
	_ =	swait.ge @p1 [sflag:s30], $0x4000  }
0x6d: {  	s16 =	sadd.s32 s5, s16;
	s13 =	sshll.u32 s13, $0x4;
	[sflag:s30] =	ssyncset.done @p1 $0x0  }
0x6e: {  	s28 =	simm.s32 @p1 $0x8F00;
	s17 =	sadd.s32 @p1 $0xFFFFFE80, s14;
	[sflag:s30] =	ssyncadd.s32 @p1 $0xFFFFC000  }
0x6f: {  	[tilespmem:s28], [sflag:$0x1] =	stream.indirect.gather @p1 [spmem:s3], $0x80, s17, s2, $0xb8;
	[tilespmem:$0x1F000] =	vst v63  }
0x70: {  	s17 =	sadd.s32 @p2 $0xFFFFFF00, s15;
	s28 =	sshll.u32 s16, $0x4;
	_ =	swait.ge @p1 [sflag:s30], $0x4000  }
0x71: {  	s26 =	sadd.s32 @p2 $0xFFFFFF80, s15;
	s17 =	simm.s32 @!p2 $0x100;
	[sflag:s30] =	ssyncset.done @p1 $0x0  }
0x72: {  	s18 =	simm.s32 @p1 $0xCF00;
	s16 =	sadd.s32 @p1 $0xFFFFFF00, s14;
	[sflag:s30] =	ssyncadd.s32 @p1 $0xFFFFC000  }
0x73: {  	[tilespmem:s18], [sflag:$0x1] =	stream.indirect.gather @p1 [spmem:s3], $0x80, s16, s2, $0xb8;
	[tilespmem:$0x1F000] =	vst v63  }
0x74: {  	s26 =	simm.s32 @!p2 $0x180;
	s16 =	sadd.s32 s5, s17;
	_ =	swait.ge @p1 [sflag:s30], $0x4000  }
0x75: {  	s17 =	sadd.s32 s5, s26;
	s16 =	sshll.u32 s16, $0x4;
	[sflag:s30] =	ssyncset.done @p1 $0x0  }
0x76: {  	s18 =	sadd.s32 @p1 $0xFFFFFF80, s14;
	s26 =	simm.s32 @p1 $0x10F00;
	[sflag:s30] =	ssyncadd.s32 @p1 $0xFFFFC000  }
0x77: {  	[tilespmem:s26], [sflag:$0x1] =	stream.indirect.gather @p1 [spmem:s3], $0x80, s18, s2, $0xb8;
	[tilespmem:$0x1F000] =	vst v63  }
0x78: {  	s15 =	simm.s32 @!p2 $0x200;
	s17 =	sshll.u32 s17, $0x4;
	_ =	swait.ge @p1 [sflag:s30], $0x4000  }
0x79: {  	p3 =	sne.s32 s11, $0x2900;
	s15 =	sadd.s32 s5, s15;
	[sflag:s30] =	ssyncset.done @p1 $0x0  }
0x7a: {  	s15 =	sshll.u32 s15, $0x4;
	s18 =	simm.s32 @p1 $0x14F00;
	[sflag:s30] =	ssyncadd.s32 @p1 $0xFFFFC000  }
0x7b: {  	[tilespmem:s18], [sflag:$0x1] =	stream.indirect.gather @p1 [spmem:s3], $0x80, s14, s2, $0xb8;
	[tilespmem:$0x1F000] =	vst v63  }
0x7c: {  	_ =	swait.ge @p1 [sflag:s30], $0x4000  }
0x7d: {  	s2 =	simm.s32 @!p1 $0x4F00;
	[sflag:s30] =	ssyncset.done @p1 $0x0  }
0x7e: {  	s26 =	simm.s32 @!p1 $0x0;
	s18 =	simm.s32 @!p1 $0x80;
	[sflag:s30] =	ssyncadd.s32 @p1 $0xFFFFC000  }
0x7f: {  	[tilespmem:s2], [sflag:$0x1] =	stream.indirect.gather @!p1 [spmem:s3], $0x80, s26, s18, $0xb8;
	[tilespmem:$0x1F000] =	vst v63  }
0x80: {  	s2 =	simm.s32 @!p1 $0x8F00  }
0x81: {  	[tilespmem:s2], [sflag:$0x1] =	stream.indirect.gather @!p1 [spmem:s3], $0x80, s18, s18, $0xb8;
	[tilespmem:$0x1F000] =	vst v63  }
0x82: {  	s26 =	simm.s32 @!p1 $0xCF00;
	s2 =	simm.s32 @!p1 $0x100  }
0x83: {  	[tilespmem:s26], [sflag:$0x1] =	stream.indirect.gather @!p1 [spmem:s3], $0x80, s2, s18, $0xb8;
	[tilespmem:$0x1F000] =	vst v63  }
0x84: {  	s2 =	simm.s32 @!p1 $0x180;
	s26 =	simm.s32 @!p1 $0x10F00  }
0x85: {  	[tilespmem:s26], [sflag:$0x1] =	stream.indirect.gather @!p1 [spmem:s3], $0x80, s2, s18, $0xb8;
	[tilespmem:$0x1F000] =	vst v63  }
0x86: {  	s2 =	simm.s32 @!p1 $0x200;
	s26 =	simm.s32 @!p1 $0x14F00  }
0x87: {  	[tilespmem:s26], [sflag:$0x1] =	stream.indirect.gather @!p1 [spmem:s3], $0x80, s2, s18, $0xb8;
	[tilespmem:$0x1F000] =	vst v63  }
0x88: {  	s2 =	sadd.s32 $0x280, s29;
	s29 =	smov.u32 s12;
	p1 =	por p2, p2  }
0x89: {  	[tilespmem:s1], [sflag:$0x1] =	stream.indirect.gather [spmem:s3], $0x80, s2, s22, $0xb8;
	[tilespmem:$0x1F000] =	vst v63  }
0x8a: {  	s2 =	sadd.s32 s5, s2;
	_ =	swait.ge [sflag:s20], $0x4000  }
0x8b: {  	s2 =	sshll.u32 s2, $0x4;
	[sflag:s20] =	ssyncset.done $0x0  }
0x8c: {  	s12 =	sadd.s32 s0, s31;
	s31 =	smov.u32 s13;
	[sflag:s20] =	ssyncadd.s32 $0xFFFFC000  }
0x8d: {  	[hbm4b:s12+s6] =	stream.linear.scatter [tilespmem:s23], [sflag:$0x2], $0x4000, $0x38;
	[tilespmem:$0x1F000] =	vst v63  }
0x8e: {  	_ =	swait.ge [sflag:s20], $0x4000  }
0x8f: {  	[sflag:s20] =	ssyncset.done $0x0  }
0x90: {  	s12 =	sadd.s32 s0, s7;
	s7 =	smov.u32 s28;
	[sflag:s20] =	ssyncadd.s32 $0xFFFFC000  }
0x91: {  	[hbm4b:s12+s6] =	stream.linear.scatter [tilespmem:s21], [sflag:$0x2], $0x4000, $0x38;
	[tilespmem:$0x1F000] =	vst v63  }
0x92: {  	_ =	swait.ge [sflag:s20], $0x4000  }
0x93: {  	[sflag:s20] =	ssyncset.done $0x0  }
0x94: {  	s12 =	sadd.s32 s0, s9;
	s9 =	smov.u32 s16;
	[sflag:s20] =	ssyncadd.s32 $0xFFFFC000  }
0x95: {  	[hbm4b:s12+s6] =	stream.linear.scatter [tilespmem:s24], [sflag:$0x2], $0x4000, $0x38;
	[tilespmem:$0x1F000] =	vst v63  }
0x96: {  	_ =	swait.ge [sflag:s20], $0x4000  }
0x97: {  	[sflag:s20] =	ssyncset.done $0x0  }
0x98: {  	s12 =	sadd.s32 s0, s8;
	s8 =	smov.u32 s17;
	[sflag:s20] =	ssyncadd.s32 $0xFFFFC000  }
0x99: {  	[hbm4b:s12+s6] =	stream.linear.scatter [tilespmem:s25], [sflag:$0x2], $0x4000, $0x38;
	[tilespmem:$0x1F000] =	vst v63  }
0x9a: {  	_ =	swait.ge [sflag:s20], $0x4000  }
0x9b: {  	[sflag:s20] =	ssyncset.done $0x0  }
.Ltmp0:
0x9c: {  	s10 =	sadd.s32 s0, s10;
	[sflag:s20] =	ssyncadd.s32 $0xFFFFC000;
	(pc) =	sbr.rel @p3 .LBB2_2-.Ltmp0, $4  }
0x9d: {  	[hbm4b:s10+s6] =	stream.linear.scatter [tilespmem:s19], [sflag:$0x2], $0x4000, $0x38;
	[tilespmem:$0x1F000] =	vst v63  }
0x9e: {  	s10 =	smov.u32 s15;
	_ =	swait.ge [sflag:s20], $0x4000  }
0x9f: {  	[sflag:s20] =	ssyncset.done $0x0  }
0xa0: {  	s14 =	sadd.s32 $0x300, s14;
	s12 =	sadd.s32 s0, s2;
	[sflag:s20] =	ssyncadd.s32 $0xFFFFC000  }
0xa1: {  	s19 =	simm.s32 $0x18F00;
	s2 =	simm.s32 @p1 $0x2  }
0xa2: {  	[hbm4b:s12+s6] =	stream.linear.scatter [tilespmem:s19], [sflag:$0x2], $0x4000, $0x38;
	[tilespmem:$0x1F000] =	vst v63  }
0xa3: {  	_ =	swait.ge @p1 [sflag:s2], $0x4000  }
0xa4: {  	s11 =	simm.s32 @p1 $0x4F00;
	[sflag:s2] =	ssyncset.done @p1 $0x0  }
0xa5: {  	s13 =	simm.s32 @p1 $0x80;
	s12 =	sadd.s32 @p1 $0xFFFFFE00, s14;
	[sflag:s2] =	ssyncadd.s32 @p1 $0xFFFFC000  }
0xa6: {  	[tilespmem:s11], [sflag:$0x1] =	stream.indirect.gather @p1 [spmem:s3], $0x80, s12, s13, $0xb8;
	[tilespmem:$0x1F000] =	vst v63  }
0xa7: {  	_ =	swait.ge @p1 [sflag:s2], $0x4000  }
0xa8: {  	[sflag:s2] =	ssyncset.done @p1 $0x0  }
0xa9: {  	s11 =	sadd.s32 @p1 $0xFFFFFE80, s14;
	s12 =	simm.s32 @p1 $0x8F00;
	[sflag:s2] =	ssyncadd.s32 @p1 $0xFFFFC000  }
0xaa: {  	[tilespmem:s12], [sflag:$0x1] =	stream.indirect.gather @p1 [spmem:s3], $0x80, s11, s13, $0xb8;
	[tilespmem:$0x1F000] =	vst v63  }
0xab: {  	_ =	swait.ge @p1 [sflag:s2], $0x4000  }
0xac: {  	[sflag:s2] =	ssyncset.done @p1 $0x0  }
0xad: {  	s11 =	sadd.s32 @p1 $0xFFFFFF00, s14;
	s12 =	simm.s32 @p1 $0xCF00;
	[sflag:s2] =	ssyncadd.s32 @p1 $0xFFFFC000  }
0xae: {  	[tilespmem:s12], [sflag:$0x1] =	stream.indirect.gather @p1 [spmem:s3], $0x80, s11, s13, $0xb8;
	[tilespmem:$0x1F000] =	vst v63  }
0xaf: {  	_ =	swait.ge @p1 [sflag:s2], $0x4000  }
0xb0: {  	[sflag:s2] =	ssyncset.done @p1 $0x0  }
0xb1: {  	s11 =	sadd.s32 @p1 $0xFFFFFF80, s14;
	s12 =	simm.s32 @p1 $0x10F00;
	[sflag:s2] =	ssyncadd.s32 @p1 $0xFFFFC000  }
0xb2: {  	[tilespmem:s12], [sflag:$0x1] =	stream.indirect.gather @p1 [spmem:s3], $0x80, s11, s13, $0xb8;
	[tilespmem:$0x1F000] =	vst v63  }
0xb3: {  	_ =	swait.ge @p1 [sflag:s2], $0x4000  }
0xb4: {  	[sflag:s2] =	ssyncset.done @p1 $0x0  }
0xb5: {  	s11 =	simm.s32 @p1 $0x14F00;
	[sflag:s2] =	ssyncadd.s32 @p1 $0xFFFFC000  }
0xb6: {  	[tilespmem:s11], [sflag:$0x1] =	stream.indirect.gather @p1 [spmem:s3], $0x80, s14, s13, $0xb8;
	[tilespmem:$0x1F000] =	vst v63  }
0xb7: {  	_ =	swait.ge @p1 [sflag:s2], $0x4000  }
0xb8: {  	s12 =	simm.s32 @!p1 $0x0;
	[sflag:s2] =	ssyncset.done @p1 $0x0  }
0xb9: {  	s11 =	simm.s32 @!p1 $0x4F00;
	[sflag:s2] =	ssyncadd.s32 @p1 $0xFFFFC000;
	s2 =	simm.s32 @!p1 $0x80  }
0xba: {  	[tilespmem:s11], [sflag:$0x1] =	stream.indirect.gather @!p1 [spmem:s3], $0x80, s12, s2, $0xb8;
	[tilespmem:$0x1F000] =	vst v63  }
0xbb: {  	s11 =	simm.s32 @!p1 $0x8F00  }
0xbc: {  	[tilespmem:s11], [sflag:$0x1] =	stream.indirect.gather @!p1 [spmem:s3], $0x80, s2, s2, $0xb8;
	[tilespmem:$0x1F000] =	vst v63  }
0xbd: {  	s12 =	simm.s32 @!p1 $0xCF00;
	s11 =	simm.s32 @!p1 $0x100  }
0xbe: {  	[tilespmem:s12], [sflag:$0x1] =	stream.indirect.gather @!p1 [spmem:s3], $0x80, s11, s2, $0xb8;
	[tilespmem:$0x1F000] =	vst v63  }
0xbf: {  	s11 =	simm.s32 @!p1 $0x180;
	s12 =	simm.s32 @!p1 $0x10F00  }
0xc0: {  	[tilespmem:s12], [sflag:$0x1] =	stream.indirect.gather @!p1 [spmem:s3], $0x80, s11, s2, $0xb8;
	[tilespmem:$0x1F000] =	vst v63  }
0xc1: {  	s11 =	simm.s32 @!p1 $0x200;
	s12 =	simm.s32 @!p1 $0x14F00  }
0xc2: {  	[tilespmem:s12], [sflag:$0x1] =	stream.indirect.gather @!p1 [spmem:s3], $0x80, s11, s2, $0xb8;
	[tilespmem:$0x1F000] =	vst v63  }
0xc3: {  	s28 =	sadd.s32 $0x280, s29;
	s30 =	simm.s32 $0x80  }
0xc4: {  	[tilespmem:s19], [sflag:$0x1] =	stream.indirect.gather [spmem:s3], $0x80, s28, s30, $0xb8;
	[tilespmem:$0x1F000] =	vst v63  }
0xc5: {  	_ =	swait.ge [sflag:s20], $0x4000  }
0xc6: {  	[sflag:s20] =	ssyncset.done $0x0  }
0xc7: {  	s1 =	sadd.s32 s0, s31;
	s16 =	simm.s32 $0x4F00;
	[sflag:s20] =	ssyncadd.s32 $0xFFFFC000  }
0xc8: {  	[hbm4b:s1+s6] =	stream.linear.scatter [tilespmem:s16], [sflag:$0x2], $0x4000, $0x38;
	[tilespmem:$0x1F000] =	vst v63  }
0xc9: {  	_ =	swait.ge [sflag:s20], $0x4000  }
0xca: {  	[sflag:s20] =	ssyncset.done $0x0  }
0xcb: {  	s7 =	sadd.s32 s0, s7;
	s15 =	simm.s32 $0x8F00;
	[sflag:s20] =	ssyncadd.s32 $0xFFFFC000  }
0xcc: {  	[hbm4b:s7+s6] =	stream.linear.scatter [tilespmem:s15], [sflag:$0x2], $0x4000, $0x38;
	[tilespmem:$0x1F000] =	vst v63  }
0xcd: {  	_ =	swait.ge [sflag:s20], $0x4000  }
0xce: {  	[sflag:s20] =	ssyncset.done $0x0  }
0xcf: {  	s17 =	simm.s32 $0xCF00;
	s11 =	sadd.s32 s0, s9;
	[sflag:s20] =	ssyncadd.s32 $0xFFFFC000  }
0xd0: {  	[hbm4b:s11+s6] =	stream.linear.scatter [tilespmem:s17], [sflag:$0x2], $0x4000, $0x38;
	[tilespmem:$0x1F000] =	vst v63  }
0xd1: {  	_ =	swait.ge [sflag:s20], $0x4000  }
0xd2: {  	[sflag:s20] =	ssyncset.done $0x0  }
0xd3: {  	s18 =	simm.s32 $0x10F00;
	s12 =	sadd.s32 s0, s8;
	[sflag:s20] =	ssyncadd.s32 $0xFFFFC000  }
0xd4: {  	[hbm4b:s12+s6] =	stream.linear.scatter [tilespmem:s18], [sflag:$0x2], $0x4000, $0x38;
	[tilespmem:$0x1F000] =	vst v63  }
0xd5: {  	_ =	swait.ge [sflag:s20], $0x4000  }
0xd6: {  	[sflag:s20] =	ssyncset.done $0x0  }
0xd7: {  	s26 =	simm.s32 $0x14F00;
	s13 =	sadd.s32 s0, s10;
	[sflag:s20] =	ssyncadd.s32 $0xFFFFC000  }
0xd8: {  	[hbm4b:s13+s6] =	stream.linear.scatter [tilespmem:s26], [sflag:$0x2], $0x4000, $0x38;
	[tilespmem:$0x1F000] =	vst v63  }
0xd9: {  	s2 =	sadd.s32 s5, s28;
	_ =	swait.ge [sflag:s20], $0x4000  }
0xda: {  	s2 =	sshll.u32 s2, $0x4;
	[sflag:s20] =	ssyncset.done $0x0  }
0xdb: {  	s2 =	sadd.s32 s0, s2;
	s1 =	simm.s32 $0x2;
	[sflag:s20] =	ssyncadd.s32 $0xFFFFC000  }
0xdc: {  	[hbm4b:s2+s6] =	stream.linear.scatter [tilespmem:s19], [sflag:$0x2], $0x4000, $0x38;
	[tilespmem:$0x1F000] =	vst v63  }
0xdd: {  	_ =	swait.ge [sflag:s1], $0x4000  }
0xde: {  	[sflag:s1] =	ssyncset.done $0x0  }
0xdf: {  	[sflag:s1] =	ssyncadd.s32 $0xFFFFC000  }
0xe0: {  	_ =	swait.ge [sflag:s1], $0x4000  }
0xe1: {  	[sflag:s1] =	ssyncset.done $0x0  }
0xe2: {  	[sflag:s1] =	ssyncadd.s32 $0xFFFFC000  }
0xe3: {  	_ =	swait.ge [sflag:s1], $0x4000  }
0xe4: {  	[sflag:s1] =	ssyncset.done $0x0  }
0xe5: {  	[sflag:s1] =	ssyncadd.s32 $0xFFFFC000  }
0xe6: {  	_ =	swait.ge [sflag:s1], $0x4000  }
0xe7: {  	[sflag:s1] =	ssyncset.done $0x0  }
0xe8: {  	[sflag:s1] =	ssyncadd.s32 $0xFFFFC000  }
0xe9: {  	_ =	swait.ge [sflag:s1], $0x4000  }
0xea: {  	[sflag:s1] =	ssyncset.done $0x0  }
0xeb: {  	[sflag:s1] =	ssyncadd.s32 $0xFFFFC000  }
0xec: {  	_ =	swait.ge [sflag:s1], $0x4000  }
0xed: {  	[sflag:s1] =	ssyncset.done $0x0  }
0xee: {  	s21 =	simm.s32 $0x10;
	s22 =	simm.s32 $0x2700;
	[sflag:s1] =	ssyncadd.s32 $0xFFFFC000  }
0xef: {  	[tilespmem:s16], [sflag:$0x1] =	stream.indirect.gather [spmem:s3], $0x80, s22, s21, $0xb8;
	[tilespmem:$0x1F000] =	vst v63  }
0xf0: {  	_ =	swait.ge [sflag:s20], $0x800  }
0xf1: {  	[sflag:s20] =	ssyncset.done $0x0  }
0xf2: {  	s24 =	simm.s32 $0x4;
	s23 =	rddreg [dreg:$0xb];
	[sflag:s20] =	ssyncadd.s32 $0xFFFFF800  }
0xf3: {  	[hbm4b:s23+s6] =	stream.linear.scatter [tilespmem:s16], [sflag:$0x4], $0x800, $0x38;
	[tilespmem:$0x1F000] =	vst v63  }
0xf4: {  	p1 =	por $0x0, $0x0;
	_ =	swait.ge [sflag:s24], $0x800  }
0xf5: {  	p2 =	por p1, p1;
	[sflag:s24] =	ssyncset.done $0x0  }
0xf6: {  	s2 =	simm.s32 @p2 $0x2;
	[sflag:s24] =	ssyncadd.s32 $0xFFFFF800  }
0xf7: {  	_ =	swait.ge @p2 [sflag:s2], $0x4000  }
0xf8: {  	s8 =	simm.s32 @p2 $0x2780;
	[sflag:s2] =	ssyncset.done @p2 $0x0  }
0xf9: {  	s10 =	simm.s32 @p2 $0x80;
	s7 =	simm.s32 @p2 $0x4F00;
	[sflag:s2] =	ssyncadd.s32 @p2 $0xFFFFC000  }
0xfa: {  	[tilespmem:s7], [sflag:$0x1] =	stream.indirect.gather @p2 [spmem:s4], $0x80, s8, s10, $0xb8;
	[tilespmem:$0x1F000] =	vst v63  }
0xfb: {  	_ =	swait.ge @p2 [sflag:s2], $0x4000  }
0xfc: {  	[sflag:s2] =	ssyncset.done @p2 $0x0  }
0xfd: {  	s7 =	simm.s32 @p2 $0x2800;
	s8 =	simm.s32 @p2 $0x8F00;
	[sflag:s2] =	ssyncadd.s32 @p2 $0xFFFFC000  }
0xfe: {  	[tilespmem:s8], [sflag:$0x1] =	stream.indirect.gather @p2 [spmem:s4], $0x80, s7, s10, $0xb8;
	[tilespmem:$0x1F000] =	vst v63  }
0xff: {  	_ =	swait.ge @p2 [sflag:s2], $0x4000  }
0x100: {  	[sflag:s2] =	ssyncset.done @p2 $0x0  }
0x101: {  	s7 =	simm.s32 @p2 $0x2880;
	s8 =	simm.s32 @p2 $0xCF00;
	[sflag:s2] =	ssyncadd.s32 @p2 $0xFFFFC000  }
0x102: {  	[tilespmem:s8], [sflag:$0x1] =	stream.indirect.gather @p2 [spmem:s4], $0x80, s7, s10, $0xb8;
	[tilespmem:$0x1F000] =	vst v63  }
0x103: {  	_ =	swait.ge @p2 [sflag:s2], $0x4000  }
0x104: {  	s9 =	simm.s32 $0x500;
	[sflag:s2] =	ssyncset.done @p2 $0x0  }
0x105: {  	s7 =	simm.s32 @p2 $0x2900;
	s8 =	simm.s32 @p2 $0x10F00;
	[sflag:s2] =	ssyncadd.s32 @p2 $0xFFFFC000  }
0x106: {  	[tilespmem:s8], [sflag:$0x1] =	stream.indirect.gather @p2 [spmem:s4], $0x80, s7, s10, $0xb8;
	[tilespmem:$0x1F000] =	vst v63  }
0x107: {  	s11 =	simm.s32 @p2 $0x14F00;
	s12 =	simm.s32 @!p2 $0x2780;
	_ =	swait.ge @p2 [sflag:s2], $0x4000  }
0x108: {  	s13 =	simm.s32 @!p2 $0xCF00;
	s22 =	simm.s32 $0x80;
	[sflag:s2] =	ssyncset.done @p2 $0x0  }
0x109: {  	s7 =	simm.s32 $0x200;
	s8 =	simm.s32 $0x2980;
	[sflag:s2] =	ssyncadd.s32 @p2 $0xFFFFC000  }
0x10a: {  	[tilespmem:s11], [sflag:$0x1] =	stream.indirect.gather @p2 [spmem:s4], $0x80, s8, s10, $0xb8;
	[tilespmem:$0x1F000] =	vst v63  }
0x10b: {  	s21 =	simm.s32 $0x8F00;
	s7 =	simm.s32 @!p1 $0x200;
	_ =	swait.ge @p2 [sflag:s2], $0x4000  }
0x10c: {  	s24 =	simm.s32 $0xCF00;
	s7 =	sadd.s32 s5, s7;
	[sflag:s2] =	ssyncset.done @p2 $0x0  }
0x10d: {  	s11 =	simm.s32 @!p2 $0x4F00;
	[sflag:s2] =	ssyncadd.s32 @p2 $0xFFFFC000;
	s2 =	simm.s32 @!p2 $0x80  }
0x10e: {  	[tilespmem:s11], [sflag:$0x1] =	stream.indirect.gather @!p2 [spmem:s4], $0x80, s12, s2, $0xb8;
	[tilespmem:$0x1F000] =	vst v63  }
0x10f: {  	s8 =	simm.s32 @p1 $0x0;
	s11 =	simm.s32 @!p2 $0x2800;
	s12 =	simm.s32 @!p2 $0x8F00  }
0x110: {  	[tilespmem:s12], [sflag:$0x1] =	stream.indirect.gather @!p2 [spmem:s4], $0x80, s11, s2, $0xb8;
	[tilespmem:$0x1F000] =	vst v63  }
0x111: {  	s10 =	simm.s32 @p1 $0x80;
	s8 =	simm.s32 @!p1 $0x0;
	s12 =	simm.s32 @!p2 $0x2880  }
0x112: {  	[tilespmem:s13], [sflag:$0x1] =	stream.indirect.gather @!p2 [spmem:s4], $0x80, s12, s2, $0xb8;
	[tilespmem:$0x1F000] =	vst v63  }
0x113: {  	s10 =	simm.s32 @!p1 $0x80;
	s12 =	simm.s32 @!p2 $0x2900;
	s13 =	simm.s32 @!p2 $0x10F00  }
0x114: {  	[tilespmem:s13], [sflag:$0x1] =	stream.indirect.gather @!p2 [spmem:s4], $0x80, s12, s2, $0xb8;
	[tilespmem:$0x1F000] =	vst v63  }
0x115: {  	s10 =	sadd.s32 s5, s10;
	s12 =	simm.s32 @!p2 $0x2980;
	s13 =	simm.s32 @!p2 $0x14F00  }
0x116: {  	[tilespmem:s13], [sflag:$0x1] =	stream.indirect.gather @!p2 [spmem:s4], $0x80, s12, s2, $0xb8;
	[tilespmem:$0x1F000] =	vst v63  }
0x117: {  	s25 =	sadd.s32 s5, s8;
	s8 =	sadd.s32 $0x2A00, s8;
	s10 =	sshll.u32 s10, $0x4  }
0x118: {  	[tilespmem:s19], [sflag:$0x1] =	stream.indirect.gather [spmem:s4], $0x80, s8, s30, $0xb8;
	[tilespmem:$0x1F000] =	vst v63  }
0x119: {  	s11 =	sshll.u32 s25, $0x4;
	s2 =	simm.s32 @p1 $0x100;
	_ =	swait.ge [sflag:s20], $0x4000  }
0x11a: {  	s25 =	simm.s32 $0x10F00;
	s2 =	simm.s32 @!p1 $0x100;
	[sflag:s20] =	ssyncset.done $0x0  }
0x11b: {  	s8 =	simm.s32 @p1 $0x180;
	s2 =	sadd.s32 s5, s2;
	[sflag:s20] =	ssyncadd.s32 $0xFFFFC000  }
0x11c: {  	s30 =	sshll.u32 s7, $0x4;
	s8 =	simm.s32 @!p1 $0x180;
	s28 =	rddreg [dreg:$0x3]  }
0x11d: {  	s2 =	sshll.u32 s2, $0x4;
	p1 =	por $0x1, $0x1;
	s11 =	sadd.s32 s28, s11  }
0x11e: {  	[hbm4b:s11+s6] =	stream.linear.scatter [tilespmem:s16], [sflag:$0x2], $0x4000, $0x38;
	[tilespmem:$0x1F000] =	vst v63  }
0x11f: {  	s8 =	sadd.s32 s5, s8;
	s14 =	simm.s32 @p1 $0x300;
	_ =	swait.ge [sflag:s20], $0x4000  }
0x120: {  	s13 =	simm.s32 @p1 $0x380;
	s9 =	simm.s32 @!p1 $0x200;
	[sflag:s20] =	ssyncset.done $0x0  }
0x121: {  	s8 =	sshll.u32 s8, $0x4;
	s16 =	sadd.s32 s28, s10;
	[sflag:s20] =	ssyncadd.s32 $0xFFFFC000  }
0x122: {  	[hbm4b:s16+s6] =	stream.linear.scatter [tilespmem:s15], [sflag:$0x2], $0x4000, $0x38;
	[tilespmem:$0x1F000] =	vst v63  }
0x123: {  	s14 =	simm.s32 @!p1 $0x0;
	s13 =	simm.s32 @!p1 $0x80;
	_ =	swait.ge [sflag:s20], $0x4000  }
0x124: {  	s19 =	sadd.s32 s5, s13;
	s13 =	simm.s32 @p1 $0x400;
	[sflag:s20] =	ssyncset.done $0x0  }
0x125: {  	s2 =	sadd.s32 s28, s2;
	s8 =	sadd.s32 s28, s8;
	[sflag:s20] =	ssyncadd.s32 $0xFFFFC000  }
0x126: {  	[hbm4b:s2+s6] =	stream.linear.scatter [tilespmem:s17], [sflag:$0x2], $0x4000, $0x38;
	[tilespmem:$0x1F000] =	vst v63  }
0x127: {  	s29 =	sshll.u32 s19, $0x4;
	s13 =	simm.s32 @!p1 $0x100;
	_ =	swait.ge [sflag:s20], $0x4000  }
0x128: {  	s19 =	simm.s32 $0x14F00;
	s10 =	simm.s32 $0x800;
	[sflag:s20] =	ssyncset.done $0x0  }
0x129: {  	s23 =	sadd.s32 s5, s13;
	s28 =	sadd.s32 s28, s30;
	[sflag:s20] =	ssyncadd.s32 $0xFFFFC000  }
0x12a: {  	[hbm4b:s8+s6] =	stream.linear.scatter [tilespmem:s18], [sflag:$0x2], $0x4000, $0x38;
	[tilespmem:$0x1F000] =	vst v63  }
0x12b: {  	s30 =	sadd.s32 s5, s9;
	s12 =	sadd.s32 $0x2800, s11;
	_ =	swait.ge [sflag:s20], $0x4000  }
0x12c: {  	s11 =	simm.s32 $0x2C80;
	s31 =	sshll.u32 s23, $0x4;
	[sflag:s20] =	ssyncset.done $0x0  }
0x12d: {  	s9 =	sshll.u32 s30, $0x4;
	s2 =	simm.s32 @p1 $0x480;
	[sflag:s20] =	ssyncadd.s32 $0xFFFFC000  }
0x12e: {  	[hbm4b:s28+s6] =	stream.linear.scatter [tilespmem:s26], [sflag:$0x2], $0x4000, $0x38;
	[tilespmem:$0x1F000] =	vst v63  }
0x12f: {  	s17 =	sadd.s32 s5, s14;
	s2 =	simm.s32 @!p1 $0x180;
	_ =	swait.ge [sflag:s20], $0x4000  }
0x130: {  	s7 =	sshll.u32 s17, $0x4;
	s2 =	sadd.s32 s5, s2;
	[sflag:s20] =	ssyncset.done $0x0  }
0x131: {  	p1 =	por p1, p1;
	s8 =	sshll.u32 s2, $0x4;
	[sflag:s20] =	ssyncadd.s32 $0xFFFFC000  }
.LBB2_4:
0x132: {  	s23 =	simm.s32 $0x18F00;
	s30 =	simm.s32 @p1 $0x2  }
0x133: {  	[hbm4b:s12+s6] =	stream.linear.scatter [tilespmem:s23], [sflag:$0x2], $0x4000, $0x38;
	[tilespmem:$0x1F000] =	vst v63  }
0x134: {  	_ =	swait.ge @p1 [sflag:s30], $0x4000  }
0x135: {  	s13 =	simm.s32 @p1 $0x4F00;
	[sflag:s30] =	ssyncset.done @p1 $0x0  }
0x136: {  	s15 =	sadd.s32 @p1 $0xFFFFFE00, s11;
	s18 =	simm.s32 @p1 $0x80;
	[sflag:s30] =	ssyncadd.s32 @p1 $0xFFFFC000  }
0x137: {  	[tilespmem:s13], [sflag:$0x1] =	stream.indirect.gather @p1 [spmem:s4], $0x80, s15, s18, $0xb8;
	[tilespmem:$0x1F000] =	vst v63  }
0x138: {  	s28 =	smov.u32 s10;
	s16 =	simm.s32 @p1 $0x8F00;
	_ =	swait.ge @p1 [sflag:s30], $0x4000  }
0x139: {  	s17 =	sadd.s32 @p1 $0xFFFFFF00, s11;
	p2 =	sne.s32 s28, $0x200;
	[sflag:s30] =	ssyncset.done @p1 $0x0  }
0x13a: {  	s12 =	sadd.s32 @p2 $0xFFFFFE00, s28;
	s15 =	sadd.s32 @p1 $0xFFFFFE80, s11;
	[sflag:s30] =	ssyncadd.s32 @p1 $0xFFFFC000  }
0x13b: {  	[tilespmem:s16], [sflag:$0x1] =	stream.indirect.gather @p1 [spmem:s4], $0x80, s15, s18, $0xb8;
	[tilespmem:$0x1F000] =	vst v63  }
0x13c: {  	s2 =	sadd.s32 @p2 $0xFFFFFE80, s28;
	s12 =	simm.s32 @!p2 $0x0;
	_ =	swait.ge @p1 [sflag:s30], $0x4000  }
0x13d: {  	s2 =	simm.s32 @!p2 $0x80;
	s26 =	sadd.s32 s5, s12;
	[sflag:s30] =	ssyncset.done @p1 $0x0  }
0x13e: {  	s13 =	sshll.u32 s26, $0x4;
	s26 =	simm.s32 @p1 $0xCF00;
	[sflag:s30] =	ssyncadd.s32 @p1 $0xFFFFC000  }
0x13f: {  	[tilespmem:s26], [sflag:$0x1] =	stream.indirect.gather @p1 [spmem:s4], $0x80, s17, s18, $0xb8;
	[tilespmem:$0x1F000] =	vst v63  }
0x140: {  	s2 =	sadd.s32 s5, s2;
	_ =	swait.ge @p1 [sflag:s30], $0x4000  }
0x141: {  	s15 =	sshll.u32 s2, $0x4;
	s2 =	sadd.s32 @p2 $0xFFFFFF80, s28;
	[sflag:s30] =	ssyncset.done @p1 $0x0  }
0x142: {  	s17 =	sadd.s32 @p1 $0xFFFFFF80, s11;
	s26 =	simm.s32 @p1 $0x10F00;
	[sflag:s30] =	ssyncadd.s32 @p1 $0xFFFFC000  }
0x143: {  	[tilespmem:s26], [sflag:$0x1] =	stream.indirect.gather @p1 [spmem:s4], $0x80, s17, s18, $0xb8;
	[tilespmem:$0x1F000] =	vst v63  }
0x144: {  	s2 =	simm.s32 @!p2 $0x180;
	_ =	swait.ge @p1 [sflag:s30], $0x4000  }
0x145: {  	s2 =	sadd.s32 s5, s2;
	[sflag:s30] =	ssyncset.done @p1 $0x0  }
0x146: {  	s17 =	sshll.u32 s2, $0x4;
	s2 =	simm.s32 @p1 $0x14F00;
	[sflag:s30] =	ssyncadd.s32 @p1 $0xFFFFC000  }
0x147: {  	[tilespmem:s2], [sflag:$0x1] =	stream.indirect.gather @p1 [spmem:s4], $0x80, s11, s18, $0xb8;
	[tilespmem:$0x1F000] =	vst v63  }
0x148: {  	_ =	swait.ge @p1 [sflag:s30], $0x4000  }
0x149: {  	s26 =	simm.s32 @!p1 $0x2780;
	[sflag:s30] =	ssyncset.done @p1 $0x0  }
0x14a: {  	s2 =	simm.s32 @!p1 $0x4F00;
	s18 =	simm.s32 @!p1 $0x80;
	[sflag:s30] =	ssyncadd.s32 @p1 $0xFFFFC000  }
0x14b: {  	[tilespmem:s2], [sflag:$0x1] =	stream.indirect.gather @!p1 [spmem:s4], $0x80, s26, s18, $0xb8;
	[tilespmem:$0x1F000] =	vst v63  }
0x14c: {  	s2 =	simm.s32 @!p1 $0x2800;
	s26 =	simm.s32 @!p1 $0x8F00  }
0x14d: {  	[tilespmem:s26], [sflag:$0x1] =	stream.indirect.gather @!p1 [spmem:s4], $0x80, s2, s18, $0xb8;
	[tilespmem:$0x1F000] =	vst v63  }
0x14e: {  	s2 =	simm.s32 @!p1 $0x2880;
	s26 =	simm.s32 @!p1 $0xCF00  }
0x14f: {  	[tilespmem:s26], [sflag:$0x1] =	stream.indirect.gather @!p1 [spmem:s4], $0x80, s2, s18, $0xb8;
	[tilespmem:$0x1F000] =	vst v63  }
0x150: {  	s2 =	simm.s32 @!p1 $0x2900;
	s26 =	simm.s32 @!p1 $0x10F00  }
0x151: {  	[tilespmem:s26], [sflag:$0x1] =	stream.indirect.gather @!p1 [spmem:s4], $0x80, s2, s18, $0xb8;
	[tilespmem:$0x1F000] =	vst v63  }
0x152: {  	s2 =	simm.s32 @!p1 $0x2980;
	s26 =	simm.s32 @!p1 $0x14F00  }
0x153: {  	[tilespmem:s26], [sflag:$0x1] =	stream.indirect.gather @!p1 [spmem:s4], $0x80, s2, s18, $0xb8;
	[tilespmem:$0x1F000] =	vst v63  }
0x154: {  	s1 =	sadd.s32 $0x2A00, s14  }
0x155: {  	[tilespmem:s23], [sflag:$0x1] =	stream.indirect.gather [spmem:s4], $0x80, s1, s22, $0xb8;
	[tilespmem:$0x1F000] =	vst v63  }
0x156: {  	s30 =	rddreg [dreg:$0x3];
	_ =	swait.ge [sflag:s20], $0x4000  }
0x157: {  	[sflag:s20] =	ssyncset.done $0x0  }
0x158: {  	s2 =	sadd.s32 s30, s7;
	s1 =	simm.s32 $0x4F00;
	[sflag:s20] =	ssyncadd.s32 $0xFFFFC000  }
0x159: {  	[hbm4b:s2+s6] =	stream.linear.scatter [tilespmem:s1], [sflag:$0x2], $0x4000, $0x38;
	[tilespmem:$0x1F000] =	vst v63  }
0x15a: {  	_ =	swait.ge [sflag:s20], $0x4000  }
0x15b: {  	[sflag:s20] =	ssyncset.done $0x0  }
0x15c: {  	s18 =	sadd.s32 s30, s29;
	[sflag:s20] =	ssyncadd.s32 $0xFFFFC000  }
0x15d: {  	[hbm4b:s18+s6] =	stream.linear.scatter [tilespmem:s21], [sflag:$0x2], $0x4000, $0x38;
	[tilespmem:$0x1F000] =	vst v63  }
0x15e: {  	s10 =	sadd.s32 $0x300, s10;
	_ =	swait.ge [sflag:s20], $0x4000  }
0x15f: {  	p3 =	sne.s32 s10, $0x2900;
	[sflag:s20] =	ssyncset.done $0x0  }
0x160: {  	s14 =	smov.u32 s12;
	s23 =	sadd.s32 s30, s31;
	[sflag:s20] =	ssyncadd.s32 $0xFFFFC000  }
0x161: {  	[hbm4b:s23+s6] =	stream.linear.scatter [tilespmem:s24], [sflag:$0x2], $0x4000, $0x38;
	[tilespmem:$0x1F000] =	vst v63  }
0x162: {  	s16 =	sadd.s32 @p2 $0xFFFFFF00, s28;
	s28 =	simm.s32 @!p2 $0x200;
	_ =	swait.ge [sflag:s20], $0x4000  }
0x163: {  	s16 =	simm.s32 @!p2 $0x100;
	s28 =	sadd.s32 s5, s28;
	[sflag:s20] =	ssyncset.done $0x0  }
0x164: {  	s16 =	sadd.s32 s5, s16;
	s26 =	sadd.s32 s30, s8;
	[sflag:s20] =	ssyncadd.s32 $0xFFFFC000  }
0x165: {  	[hbm4b:s26+s6] =	stream.linear.scatter [tilespmem:s25], [sflag:$0x2], $0x4000, $0x38;
	[tilespmem:$0x1F000] =	vst v63  }
0x166: {  	s28 =	sshll.u32 s28, $0x4;
	s16 =	sshll.u32 s16, $0x4;
	_ =	swait.ge [sflag:s20], $0x4000  }
0x167: {  	s11 =	sadd.s32 $0x300, s11;
	s9 =	sadd.s32 s30, s9;
	[sflag:s20] =	ssyncset.done $0x0  }
.Ltmp1:
0x168: {  	p1 =	por p2, p2;
	[sflag:s20] =	ssyncadd.s32 $0xFFFFC000;
	(pc) =	sbr.rel @p3 .LBB2_4-.Ltmp1, $4  }
0x169: {  	[hbm4b:s9+s6] =	stream.linear.scatter [tilespmem:s19], [sflag:$0x2], $0x4000, $0x38;
	[tilespmem:$0x1F000] =	vst v63  }
0x16a: {  	s7 =	smov.u32 s13;
	s29 =	smov.u32 s15;
	_ =	swait.ge [sflag:s20], $0x4000  }
0x16b: {  	s8 =	smov.u32 s17;
	s12 =	sadd.s32 $0x2800, s2;
	[sflag:s20] =	ssyncset.done $0x0  }
0x16c: {  	s31 =	smov.u32 s16;
	s9 =	smov.u32 s28;
	[sflag:s20] =	ssyncadd.s32 $0xFFFFC000  }
0x16d: {  	s1 =	simm.s32 $0x18F00;
	s2 =	simm.s32 @p1 $0x2  }
0x16e: {  	[hbm4b:s12+s6] =	stream.linear.scatter [tilespmem:s1], [sflag:$0x2], $0x4000, $0x38;
	[tilespmem:$0x1F000] =	vst v63  }
0x16f: {  	_ =	swait.ge @p1 [sflag:s2], $0x4000  }
0x170: {  	s10 =	simm.s32 @p1 $0x4F00;
	[sflag:s2] =	ssyncset.done @p1 $0x0  }
0x171: {  	s13 =	simm.s32 @p1 $0x80;
	s12 =	sadd.s32 @p1 $0xFFFFFE00, s11;
	[sflag:s2] =	ssyncadd.s32 @p1 $0xFFFFC000  }
0x172: {  	[tilespmem:s10], [sflag:$0x1] =	stream.indirect.gather @p1 [spmem:s4], $0x80, s12, s13, $0xb8;
	[tilespmem:$0x1F000] =	vst v63  }
0x173: {  	_ =	swait.ge @p1 [sflag:s2], $0x4000  }
0x174: {  	[sflag:s2] =	ssyncset.done @p1 $0x0  }
0x175: {  	s10 =	sadd.s32 @p1 $0xFFFFFE80, s11;
	s12 =	simm.s32 @p1 $0x8F00;
	[sflag:s2] =	ssyncadd.s32 @p1 $0xFFFFC000  }
0x176: {  	[tilespmem:s12], [sflag:$0x1] =	stream.indirect.gather @p1 [spmem:s4], $0x80, s10, s13, $0xb8;
	[tilespmem:$0x1F000] =	vst v63  }
0x177: {  	_ =	swait.ge @p1 [sflag:s2], $0x4000  }
0x178: {  	[sflag:s2] =	ssyncset.done @p1 $0x0  }
0x179: {  	s10 =	sadd.s32 @p1 $0xFFFFFF00, s11;
	s12 =	simm.s32 @p1 $0xCF00;
	[sflag:s2] =	ssyncadd.s32 @p1 $0xFFFFC000  }
0x17a: {  	[tilespmem:s12], [sflag:$0x1] =	stream.indirect.gather @p1 [spmem:s4], $0x80, s10, s13, $0xb8;
	[tilespmem:$0x1F000] =	vst v63  }
0x17b: {  	_ =	swait.ge @p1 [sflag:s2], $0x4000  }
0x17c: {  	[sflag:s2] =	ssyncset.done @p1 $0x0  }
0x17d: {  	s10 =	sadd.s32 @p1 $0xFFFFFF80, s11;
	s12 =	simm.s32 @p1 $0x10F00;
	[sflag:s2] =	ssyncadd.s32 @p1 $0xFFFFC000  }
0x17e: {  	[tilespmem:s12], [sflag:$0x1] =	stream.indirect.gather @p1 [spmem:s4], $0x80, s10, s13, $0xb8;
	[tilespmem:$0x1F000] =	vst v63  }
0x17f: {  	_ =	swait.ge @p1 [sflag:s2], $0x4000  }
0x180: {  	[sflag:s2] =	ssyncset.done @p1 $0x0  }
0x181: {  	s10 =	simm.s32 @p1 $0x14F00;
	[sflag:s2] =	ssyncadd.s32 @p1 $0xFFFFC000  }
0x182: {  	[tilespmem:s10], [sflag:$0x1] =	stream.indirect.gather @p1 [spmem:s4], $0x80, s11, s13, $0xb8;
	[tilespmem:$0x1F000] =	vst v63  }
0x183: {  	_ =	swait.ge @p1 [sflag:s2], $0x4000  }
0x184: {  	s10 =	simm.s32 @!p1 $0x4F00;
	[sflag:s2] =	ssyncset.done @p1 $0x0  }
0x185: {  	s11 =	simm.s32 @!p1 $0x2780;
	[sflag:s2] =	ssyncadd.s32 @p1 $0xFFFFC000;
	s2 =	simm.s32 @!p1 $0x80  }
0x186: {  	[tilespmem:s10], [sflag:$0x1] =	stream.indirect.gather @!p1 [spmem:s4], $0x80, s11, s2, $0xb8;
	[tilespmem:$0x1F000] =	vst v63  }
0x187: {  	s10 =	simm.s32 @!p1 $0x2800;
	s11 =	simm.s32 @!p1 $0x8F00  }
0x188: {  	[tilespmem:s11], [sflag:$0x1] =	stream.indirect.gather @!p1 [spmem:s4], $0x80, s10, s2, $0xb8;
	[tilespmem:$0x1F000] =	vst v63  }
0x189: {  	s10 =	simm.s32 @!p1 $0x2880;
	s11 =	simm.s32 @!p1 $0xCF00  }
0x18a: {  	[tilespmem:s11], [sflag:$0x1] =	stream.indirect.gather @!p1 [spmem:s4], $0x80, s10, s2, $0xb8;
	[tilespmem:$0x1F000] =	vst v63  }
0x18b: {  	s10 =	simm.s32 @!p1 $0x2900;
	s11 =	simm.s32 @!p1 $0x10F00  }
0x18c: {  	[tilespmem:s11], [sflag:$0x1] =	stream.indirect.gather @!p1 [spmem:s4], $0x80, s10, s2, $0xb8;
	[tilespmem:$0x1F000] =	vst v63  }
0x18d: {  	s10 =	simm.s32 @!p1 $0x2980;
	s11 =	simm.s32 @!p1 $0x14F00  }
0x18e: {  	[tilespmem:s11], [sflag:$0x1] =	stream.indirect.gather @!p1 [spmem:s4], $0x80, s10, s2, $0xb8;
	[tilespmem:$0x1F000] =	vst v63  }
0x18f: {  	s10 =	sadd.s32 $0x2A00, s14  }
0x190: {  	[tilespmem:s1], [sflag:$0x1] =	stream.indirect.gather [spmem:s4], $0x80, s10, s22, $0xb8;
	[tilespmem:$0x1F000] =	vst v63  }
0x191: {  	_ =	swait.ge [sflag:s20], $0x4000  }
0x192: {  	[sflag:s20] =	ssyncset.done $0x0  }
0x193: {  	s12 =	simm.s32 $0x4F00;
	s11 =	sadd.s32 s30, s7;
	[sflag:s20] =	ssyncadd.s32 $0xFFFFC000  }
0x194: {  	[hbm4b:s11+s6] =	stream.linear.scatter [tilespmem:s12], [sflag:$0x2], $0x4000, $0x38;
	[tilespmem:$0x1F000] =	vst v63  }
0x195: {  	_ =	swait.ge [sflag:s20], $0x4000  }
0x196: {  	[sflag:s20] =	ssyncset.done $0x0  }
0x197: {  	s14 =	sadd.s32 s30, s29;
	[sflag:s20] =	ssyncadd.s32 $0xFFFFC000  }
0x198: {  	[hbm4b:s14+s6] =	stream.linear.scatter [tilespmem:s21], [sflag:$0x2], $0x4000, $0x38;
	[tilespmem:$0x1F000] =	vst v63  }
0x199: {  	_ =	swait.ge [sflag:s20], $0x4000  }
0x19a: {  	[sflag:s20] =	ssyncset.done $0x0  }
0x19b: {  	s15 =	sadd.s32 s30, s31;
	[sflag:s20] =	ssyncadd.s32 $0xFFFFC000  }
0x19c: {  	[hbm4b:s15+s6] =	stream.linear.scatter [tilespmem:s24], [sflag:$0x2], $0x4000, $0x38;
	[tilespmem:$0x1F000] =	vst v63  }
0x19d: {  	_ =	swait.ge [sflag:s20], $0x4000  }
0x19e: {  	[sflag:s20] =	ssyncset.done $0x0  }
0x19f: {  	s16 =	sadd.s32 s30, s8;
	[sflag:s20] =	ssyncadd.s32 $0xFFFFC000  }
0x1a0: {  	[hbm4b:s16+s6] =	stream.linear.scatter [tilespmem:s25], [sflag:$0x2], $0x4000, $0x38;
	[tilespmem:$0x1F000] =	vst v63  }
0x1a1: {  	_ =	swait.ge [sflag:s20], $0x4000  }
0x1a2: {  	[sflag:s20] =	ssyncset.done $0x0  }
0x1a3: {  	s17 =	sadd.s32 s30, s9;
	[sflag:s20] =	ssyncadd.s32 $0xFFFFC000  }
0x1a4: {  	[hbm4b:s17+s6] =	stream.linear.scatter [tilespmem:s19], [sflag:$0x2], $0x4000, $0x38;
	[tilespmem:$0x1F000] =	vst v63  }
0x1a5: {  	_ =	swait.ge [sflag:s20], $0x4000  }
0x1a6: {  	[sflag:s20] =	ssyncset.done $0x0  }
0x1a7: {  	s18 =	simm.s32 $0x2;
	s2 =	sadd.s32 $0x2800, s11;
	[sflag:s20] =	ssyncadd.s32 $0xFFFFC000  }
0x1a8: {  	[hbm4b:s2+s6] =	stream.linear.scatter [tilespmem:s1], [sflag:$0x2], $0x4000, $0x38;
	[tilespmem:$0x1F000] =	vst v63  }
0x1a9: {  	_ =	swait.ge [sflag:s18], $0x4000  }
0x1aa: {  	[sflag:s18] =	ssyncset.done $0x0  }
0x1ab: {  	[sflag:s18] =	ssyncadd.s32 $0xFFFFC000  }
0x1ac: {  	_ =	swait.ge [sflag:s18], $0x4000  }
0x1ad: {  	[sflag:s18] =	ssyncset.done $0x0  }
0x1ae: {  	[sflag:s18] =	ssyncadd.s32 $0xFFFFC000  }
0x1af: {  	_ =	swait.ge [sflag:s18], $0x4000  }
0x1b0: {  	[sflag:s18] =	ssyncset.done $0x0  }
0x1b1: {  	[sflag:s18] =	ssyncadd.s32 $0xFFFFC000  }
0x1b2: {  	_ =	swait.ge [sflag:s18], $0x4000  }
0x1b3: {  	[sflag:s18] =	ssyncset.done $0x0  }
0x1b4: {  	[sflag:s18] =	ssyncadd.s32 $0xFFFFC000  }
0x1b5: {  	_ =	swait.ge [sflag:s18], $0x4000  }
0x1b6: {  	[sflag:s18] =	ssyncset.done $0x0  }
0x1b7: {  	[sflag:s18] =	ssyncadd.s32 $0xFFFFC000  }
0x1b8: {  	_ =	swait.ge [sflag:s18], $0x4000  }
0x1b9: {  	[sflag:s18] =	ssyncset.done $0x0  }
0x1ba: {  	s23 =	simm.s32 $0x10;
	s26 =	simm.s32 $0x4E80;
	[sflag:s18] =	ssyncadd.s32 $0xFFFFC000  }
0x1bb: {  	[tilespmem:s12], [sflag:$0x1] =	stream.indirect.gather [spmem:s4], $0x80, s26, s23, $0xb8;
	[tilespmem:$0x1F000] =	vst v63  }
0x1bc: {  	_ =	swait.ge [sflag:s20], $0x800  }
0x1bd: {  	[sflag:s20] =	ssyncset.done $0x0  }
0x1be: {  	s29 =	simm.s32 $0x4;
	s28 =	rddreg [dreg:$0xc];
	[sflag:s20] =	ssyncadd.s32 $0xFFFFF800  }
0x1bf: {  	[hbm4b:s28+s6] =	stream.linear.scatter [tilespmem:s12], [sflag:$0x4], $0x800, $0x38;
	[tilespmem:$0x1F000] =	vst v63  }
0x1c0: {  	_ =	swait.ge [sflag:s29], $0x800  }
0x1c1: {  	s30 =	rddreg [dreg:$0x10]  }
0x1c2: {  	s31 =	rddreg [dreg:$0xd];
	s7 =	sadd.s32 $0x1, s30  }
0x1c3: {  	p1 =	sne.s32 s7, s31  }
.Ltmp2:
0x1c4: {  	_ = 	snop;
	(pc) =	sbr.rel @p1 .LBB2_1-.Ltmp2, $3  }
0x1c5: {  	_ =	sdelay $0x1  }
0x1c6: {  	[sflag:s29] =	ssyncset.done $0x0  }
0x1c7: {  	s13 =	simm.s32 $0x18F00;
	s23 =	simm.s32 $0x4F00;
	[sflag:s29] =	ssyncadd.s32 $0xFFFFF800  }
0x1c8: {  	_ =	sfence.sel $0x180000  }
0x1c9: {  	[bflag:$0x0] =	sbarrier.arrive $0xFFFF  }
0x1ca: {  	_ =	strace $0x90000047  }
0x1cb: {  	[bflag:$0x2] =	sbarrier.arrive $0xFFFF  }
0x1cc: {  	s0 =	rddreg [dreg:$0x6]  }
0x1cd: {  	s0 =	sadd.s32 @!p0 $0x100000, s0  }
0x1ce: {  	[sflag:s0] =	ssyncadd.tile.s32 @!p0 $0x1;
	_ =	shalt  }
.Lfunc_end2:
_tile_overlayer_lowered:
.L_overlay_start_2:
0x1cf: {  	(tag) =	ssettag $0x2  }
0x1d0: {  	s0 =	rddreg [dreg:$0x0];
	s2 =	stileid.u32  }
0x1d1: {  	s1 =	rddreg [dreg:$0x1];
	p0 =	sne.s32 s2, $0x0  }
0x1d2: {  	s3 =	rddreg [dreg:$0x2];
	[bflag:$0x3] =	sbarrier.arrive $0xFFFF;
	s2 =	simm.s32 @!p0 $0x1C04  }
0x1d3: {  	[timem:s3], [sflag:s2] =	dma.local @!p0 [hbm:s0], s1  }
0x1d4: {  	s0 =	simm.s32 @!p0 $0x4  }
0x1d5: {  	_ =	swait.ge @!p0 [sflag:s0], s1  }
0x1d6: {  	s1 =	ssub.s32 @!p0 $0x0, s1;
	[sflag:s0] =	ssyncset.done @!p0 $0x0  }
0x1d7: {  	[sflag:s0] =	ssyncadd.s32 @!p0 s1  }
0x1d8: {  	[bflag:$0x3] =	sbarrier.arrive $0xFFFF  }
0x1d9: {  	_ =	shalt  }

</sc_bundles>
